<compile_context>
chip_gen: v7x
topology: tpu7x:2x2x1
jax: 0.10.2.dev20260603
libtpu: 0.0.44.dev20260713+nightly
codegen_flags: <defaults>
</compile_context>

<pallas_src>
import functools

import jax
import jax.numpy as jnp
import numpy as np
from jax import lax
from jax.experimental import pallas as pl
from jax.experimental.pallas import tpu as pltpu
from jax.experimental.pallas import tpu_sc as plsc

_ROWS = 128
_ROW_LEN = 160000
_NW = 32
_ROWS_PER_W = _ROWS // _NW
_CHUNK = 32000
_CHUNKS_PER_ROW = _ROW_LEN // _CHUNK
_CHUNKS_PER_W = _ROWS_PER_W * _CHUNKS_PER_ROW
_NBUF = 3
_LOOKAHEAD = 2

_PERM = np.array([
    22, 18, 6, 26, 21, 45, 60, 39, 61, 49, 38, 27, 32, 57, 10, 63,
    35, 20, 24, 56, 52, 40, 51, 42, 55, 4, 31, 14, 0, 43, 34, 3,
    50, 5, 17, 37, 28, 2, 41, 23, 58, 44, 54, 48, 46, 36, 1, 8,
    16, 33, 30, 7, 19, 15, 9, 62, 13, 11, 59, 47, 25, 53, 12, 29,
], dtype=np.int32)
_SRC_ROW = np.concatenate([_PERM, np.arange(64, 128, dtype=np.int32)])
_PARAMS = np.zeros((_NW, 16), dtype=np.int32)
for _w in range(_NW):
    _PARAMS[_w, :_ROWS_PER_W] = _SRC_ROW[_w * _ROWS_PER_W:(_w + 1) * _ROWS_PER_W]

_MESH = plsc.VectorSubcoreMesh(core_axis_name="c", subcore_axis_name="s")


@functools.partial(
    pl.kernel,
    out_type=jax.ShapeDtypeStruct((_ROWS, _ROW_LEN), jnp.float32),
    mesh=_MESH,
    scratch_types=[
        pltpu.VMEM((16,), jnp.int32),
    ]
    + [pltpu.VMEM((_CHUNK,), jnp.float32) for _ in range(_NBUF)]
    + [
        pltpu.SemaphoreType.DMA,
        pltpu.SemaphoreType.DMA,
    ],
)
def _remix_copy(src_hbm, params_hbm, out_hbm, idx_v, *bufs_and_sems):
    bufs = bufs_and_sems[:_NBUF]
    sem_g, sem_s = bufs_and_sems[_NBUF:]
    wid = lax.axis_index("s") * 2 + lax.axis_index("c")
    pltpu.sync_copy(params_hbm.at[pl.ds(wid * 16, 16)], idx_v)
    src_rows = idx_v[...]

    def src_slice(t):
        j, k = divmod(t, _CHUNKS_PER_ROW)
        return src_hbm.at[src_rows[j], pl.ds(k * _CHUNK, _CHUNK)]

    def out_slice(t):
        j, k = divmod(t, _CHUNKS_PER_ROW)
        return out_hbm.at[wid * _ROWS_PER_W + j, pl.ds(k * _CHUNK, _CHUNK)]

    def gather(t):
        return pltpu.make_async_copy(src_slice(t), bufs[t % _NBUF], sem_g)

    def scatter(t):
        return pltpu.make_async_copy(bufs[t % _NBUF], out_slice(t), sem_s)

    for t in range(_LOOKAHEAD):
        gather(t).start()
    waited_s = 0
    for t in range(_CHUNKS_PER_W):
        gather(t).wait()
        scatter(t).start()
        nxt = t + _LOOKAHEAD
        if nxt < _CHUNKS_PER_W:
            need_done = nxt - _NBUF
            while waited_s <= need_done:
                scatter(waited_s).wait()
                waited_s += 1
            gather(nxt).start()
    while waited_s < _CHUNKS_PER_W:
        scatter(waited_s).wait()
        waited_s += 1


def kernel(sources):
    flat = sources.reshape(_ROWS, _ROW_LEN)
    params = jnp.asarray(_PARAMS.reshape(-1))
    return _remix_copy(flat, params).reshape(sources.shape)

# --- scband reference (transcript-rebuilt; emitter-appended) ---
"""Pipeline reference for scband-remix-86517821213246 (READ-ONLY COPY).

The authoritative reference and input builder live on the scoring server;
editing this copy changes nothing except your own understanding.
"""

import jax, jax.numpy as jnp
import numpy as np


def setup_inputs(seed: int = 0) -> dict:
    key = jax.random.key(seed)
    k1, = jax.random.split(key, 1)
    sources = jax.random.normal(k1, (2, 64, 1, 160000), dtype=jnp.float32)
    return {"sources": sources}


def reference(sources):
    # Faithful translation of Remix.forward:
    #   noise, clean = sources
    #   perm = argsort(rand(bs))
    #   return stack([noise[perm], clean])
    noise = sources[0]
    clean = sources[1]
    bs = noise.shape[0]
    # torch.rand -> jax uniform; argsort of random values == random permutation
    perm_key = jax.random.key(42)
    perm = jnp.argsort(jax.random.uniform(perm_key, (bs,)))
    remixed_noise = jnp.take(noise, perm, axis=0)
    return jnp.stack([remixed_noise, clean])

if __name__ == "__main__":
    import jax
    _d = setup_inputs()
    print(jax.jit(kernel)(*tuple(_d.values())))

</pallas_src>

<mosaic_0001>
#map = affine_map<(d0, d1) -> (0, 0)>
#map1 = affine_map<(d0, d1) -> (0)>
module attributes {stable_mosaic.version = 14 : i64} {
  func.func @_remix_copy(%arg0: i32, %arg1: i32, %arg2: memref<128x160000xf32, #tpu.memory_space<hbm>>, %arg3: memref<512xi32, #tpu.memory_space<hbm>>, %arg4: memref<128x160000xf32, #tpu.memory_space<hbm>>, %arg5: memref<16xi32, #tpu.memory_space<vmem>>, %arg6: memref<32000xf32, #tpu.memory_space<vmem>>, %arg7: memref<32000xf32, #tpu.memory_space<vmem>>, %arg8: memref<32000xf32, #tpu.memory_space<vmem>>, %arg9: memref<!tpu.dma_semaphore, #tpu.memory_space<semaphore_mem>>, %arg10: memref<!tpu.dma_semaphore, #tpu.memory_space<semaphore_mem>>) attributes {dimension_semantics = [#tpu.dimension_semantics<core_parallel>, #tpu.dimension_semantics<subcore_parallel>], iteration_bounds = array<i64: 2, 16>, scalar_prefetch = 0 : i64, scratch_operands = 6 : i64, tpu.core_type = #tpu.core_type<sc_vector_subcore>, window_params = [{transform_indices = #map}, {transform_indices = #map1}, {transform_indices = #map}]} {
    %mul3A = arith.constant 2 : i32
    %mul3A_0 = arith.muli %arg1, %mul3A : i32
    %add3A = arith.addi %mul3A_0, %arg0 : i32
    %mul3A_1 = arith.constant 16 : i32
    %mul3A_2 = arith.muli %add3A, %mul3A_1 : i32
    "tpu.region"() ({
      %run_scoped3A = tpu.sem_alloc : memref<!tpu.dma_semaphore, #tpu.memory_space<semaphore_mem>>
      %dma_start3A_721 = tpu.memref_slice %arg3[%mul3A_2] : memref<512xi32, #tpu.memory_space<hbm>> -> memref<16xi32, #tpu.memory_space<hbm>>
      %dma_start3A_722 = tpu.memref_slice %arg3[%mul3A_2] : memref<512xi32, #tpu.memory_space<hbm>> -> memref<16xi32, #tpu.memory_space<hbm>>
      tpu.enqueue_dma source(%dma_start3A_722 : memref<16xi32, #tpu.memory_space<hbm>>) target(%arg5 : memref<16xi32, #tpu.memory_space<vmem>>) target_semaphore(%run_scoped3A : memref<!tpu.dma_semaphore, #tpu.memory_space<semaphore_mem>>)
      %dma_wait3A_723 = tpu.memref_slice %arg3[%mul3A_2] : memref<512xi32, #tpu.memory_space<hbm>> -> memref<16xi32, #tpu.memory_space<hbm>>
      %dma_wait3A_724 = tpu.memref_slice %arg3[%mul3A_2] : memref<512xi32, #tpu.memory_space<hbm>> -> memref<16xi32, #tpu.memory_space<hbm>>
      tpu.wait_dma2 semaphore(%run_scoped3A : memref<!tpu.dma_semaphore, #tpu.memory_space<semaphore_mem>>) src(%dma_wait3A_724 : memref<16xi32, #tpu.memory_space<hbm>>) dst(%arg5 : memref<16xi32, #tpu.memory_space<vmem>>)
      tpu.yield
    }) : () -> ()
    %get3A = arith.constant 0 : index
    %get3A_3 = tpu.vector_load %arg5[%get3A] {strides = array<i32>} : memref<16xi32, #tpu.memory_space<vmem>>, vector<16xi32>,
    %get3A_4 = vector.shape_cast %get3A_3 : vector<16xi32> to vector<16xi32>
    %slice3A = vector.extract_strided_slice %get3A_4 {offsets = [0], sizes = [1], strides = [1]} : vector<16xi32> to vector<1xi32>
    %squeeze3A = vector.extract %slice3A[0] : i32 from vector<1xi32>
    %dma_start3A = arith.constant 0 : i32
    %dma_start3A_5 = tpu.memref_slice %arg2[%squeeze3A, %dma_start3A] : memref<128x160000xf32, #tpu.memory_space<hbm>> -> memref<1x32000xf32, #tpu.memory_space<hbm>>
    %dma_start3A_6 = tpu.memref_squeeze %dma_start3A_5 : memref<1x32000xf32, #tpu.memory_space<hbm>> -> memref<32000xf32, #tpu.memory_space<hbm>>
    %dma_start3A_7 = arith.constant 0 : i32
    %dma_start3A_8 = tpu.memref_slice %arg2[%squeeze3A, %dma_start3A_7] : memref<128x160000xf32, #tpu.memory_space<hbm>> -> memref<1x32000xf32, #tpu.memory_space<hbm>>
    %dma_start3A_9 = tpu.memref_squeeze %dma_start3A_8 : memref<1x32000xf32, #tpu.memory_space<hbm>> -> memref<32000xf32, #tpu.memory_space<hbm>>
    tpu.enqueue_dma source(%dma_start3A_9 : memref<32000xf32, #tpu.memory_space<hbm>>) target(%arg6 : memref<32000xf32, #tpu.memory_space<vmem>>) target_semaphore(%arg9 : memref<!tpu.dma_semaphore, #tpu.memory_space<semaphore_mem>>)
    %slice3A_10 = vector.extract_strided_slice %get3A_4 {offsets = [0], sizes = [1], strides = [1]} : vector<16xi32> to vector<1xi32>
    %squeeze3A_11 = vector.extract %slice3A_10[0] : i32 from vector<1xi32>
    %dma_start3A_12 = arith.constant 32000 : i32
    %dma_start3A_13 = tpu.memref_slice %arg2[%squeeze3A_11, %dma_start3A_12] : memref<128x160000xf32, #tpu.memory_space<hbm>> -> memref<1x32000xf32, #tpu.memory_space<hbm>>
    %dma_start3A_14 = tpu.memref_squeeze %dma_start3A_13 : memref<1x32000xf32, #tpu.memory_space<hbm>> -> memref<32000xf32, #tpu.memory_space<hbm>>
    %dma_start3A_15 = arith.constant 32000 : i32
    %dma_start3A_16 = tpu.memref_slice %arg2[%squeeze3A_11, %dma_start3A_15] : memref<128x160000xf32, #tpu.memory_space<hbm>> -> memref<1x32000xf32, #tpu.memory_space<hbm>>
    %dma_start3A_17 = tpu.memref_squeeze %dma_start3A_16 : memref<1x32000xf32, #tpu.memory_space<hbm>> -> memref<32000xf32, #tpu.memory_space<hbm>>
    tpu.enqueue_dma source(%dma_start3A_17 : memref<32000xf32, #tpu.memory_space<hbm>>) target(%arg7 : memref<32000xf32, #tpu.memory_space<vmem>>) target_semaphore(%arg9 : memref<!tpu.dma_semaphore, #tpu.memory_space<semaphore_mem>>)
    %slice3A_18 = vector.extract_strided_slice %get3A_4 {offsets = [0], sizes = [1], strides = [1]} : vector<16xi32> to vector<1xi32>
    %squeeze3A_19 = vector.extract %slice3A_18[0] : i32 from vector<1xi32>
    %dma_wait3A = arith.constant 0 : i32
    %dma_wait3A_20 = tpu.memref_slice %arg2[%squeeze3A_19, %dma_wait3A] : memref<128x160000xf32, #tpu.memory_space<hbm>> -> memref<1x32000xf32, #tpu.memory_space<hbm>>
    %dma_wait3A_21 = tpu.memref_squeeze %dma_wait3A_20 : memref<1x32000xf32, #tpu.memory_space<hbm>> -> memref<32000xf32, #tpu.memory_space<hbm>>
    %dma_wait3A_22 = arith.constant 0 : i32
    %dma_wait3A_23 = tpu.memref_slice %arg2[%squeeze3A_19, %dma_wait3A_22] : memref<128x160000xf32, #tpu.memory_space<hbm>> -> memref<1x32000xf32, #tpu.memory_space<hbm>>
    %dma_wait3A_24 = tpu.memref_squeeze %dma_wait3A_23 : memref<1x32000xf32, #tpu.memory_space<hbm>> -> memref<32000xf32, #tpu.memory_space<hbm>>
    tpu.wait_dma2 semaphore(%arg9 : memref<!tpu.dma_semaphore, #tpu.memory_space<semaphore_mem>>) src(%dma_wait3A_24 : memref<32000xf32, #tpu.memory_space<hbm>>) dst(%arg6 : memref<32000xf32, #tpu.memory_space<vmem>>)
    %mul3A_25 = arith.constant 4 : i32
    %mul3A_26 = arith.muli %add3A, %mul3A_25 : i32
    %add3A_27 = arith.constant 0 : i32
    %add3A_28 = arith.addi %mul3A_26, %add3A_27 : i32
    %dma_start3A_29 = arith.constant 0 : i32
    %dma_start3A_30 = tpu.memref_slice %arg4[%add3A_28, %dma_start3A_29] : memref<128x160000xf32, #tpu.memory_space<hbm>> -> memref<1x32000xf32, #tpu.memory_space<hbm>>
    %dma_start3A_31 = tpu.memref_squeeze %dma_start3A_30 : memref<1x32000xf32, #tpu.memory_space<hbm>> -> memref<32000xf32, #tpu.memory_space<hbm>>
    %dma_start3A_32 = arith.constant 0 : i32
    %dma_start3A_33 = tpu.memref_slice %arg4[%add3A_28, %dma_start3A_32] : memref<128x160000xf32, #tpu.memory_space<hbm>> -> memref<1x32000xf32, #tpu.memory_space<hbm>>
    %dma_start3A_34 = tpu.memref_squeeze %dma_start3A_33 : memref<1x32000xf32, #tpu.memory_space<hbm>> -> memref<32000xf32, #tpu.memory_space<hbm>>
    tpu.enqueue_dma source(%arg6 : memref<32000xf32, #tpu.memory_space<vmem>>) target(%dma_start3A_34 : memref<32000xf32, #tpu.memory_space<hbm>>) target_semaphore(%arg10 : memref<!tpu.dma_semaphore, #tpu.memory_space<semaphore_mem>>)
    %slice3A_35 = vector.extract_strided_slice %get3A_4 {offsets = [0], sizes = [1], strides = [1]} : vector<16xi32> to vector<1xi32>
    %squeeze3A_36 = vector.extract %slice3A_35[0] : i32 from vector<1xi32>
    %dma_start3A_37 = arith.constant 64000 : i32
    %dma_start3A_38 = tpu.memref_slice %arg2[%squeeze3A_36, %dma_start3A_37] : memref<128x160000xf32, #tpu.memory_space<hbm>> -> memref<1x32000xf32, #tpu.memory_space<hbm>>
    %dma_start3A_39 = tpu.memref_squeeze %dma_start3A_38 : memref<1x32000xf32, #tpu.memory_space<hbm>> -> memref<32000xf32, #tpu.memory_space<hbm>>
    %dma_start3A_40 = arith.constant 64000 : i32
    %dma_start3A_41 = tpu.memref_slice %arg2[%squeeze3A_36, %dma_start3A_40] : memref<128x160000xf32, #tpu.memory_space<hbm>> -> memref<1x32000xf32, #tpu.memory_space<hbm>>
    %dma_start3A_42 = tpu.memref_squeeze %dma_start3A_41 : memref<1x32000xf32, #tpu.memory_space<hbm>> -> memref<32000xf32, #tpu.memory_space<hbm>>
    tpu.enqueue_dma source(%dma_start3A_42 : memref<32000xf32, #tpu.memory_space<hbm>>) target(%arg8 : memref<32000xf32, #tpu.memory_space<vmem>>) target_semaphore(%arg9 : memref<!tpu.dma_semaphore, #tpu.memory_space<semaphore_mem>>)
    %slice3A_43 = vector.extract_strided_slice %get3A_4 {offsets = [0], sizes = [1], strides = [1]} : vector<16xi32> to vector<1xi32>
    %squeeze3A_44 = vector.extract %slice3A_43[0] : i32 from vector<1xi32>
    %dma_wait3A_45 = arith.constant 32000 : i32
    %dma_wait3A_46 = tpu.memref_slice %arg2[%squeeze3A_44, %dma_wait3A_45] : memref<128x160000xf32, #tpu.memory_space<hbm>> -> memref<1x32000xf32, #tpu.memory_space<hbm>>
    %dma_wait3A_47 = tpu.memref_squeeze %dma_wait3A_46 : memref<1x32000xf32, #tpu.memory_space<hbm>> -> memref<32000xf32, #tpu.memory_space<hbm>>
    %dma_wait3A_48 = arith.constant 32000 : i32
    %dma_wait3A_49 = tpu.memref_slice %arg2[%squeeze3A_44, %dma_wait3A_48] : memref<128x160000xf32, #tpu.memory_space<hbm>> -> memref<1x32000xf32, #tpu.memory_space<hbm>>
    %dma_wait3A_50 = tpu.memref_squeeze %dma_wait3A_49 : memref<1x32000xf32, #tpu.memory_space<hbm>> -> memref<32000xf32, #tpu.memory_space<hbm>>
    tpu.wait_dma2 semaphore(%arg9 : memref<!tpu.dma_semaphore, #tpu.memory_space<semaphore_mem>>) src(%dma_wait3A_50 : memref<32000xf32, #tpu.memory_space<hbm>>) dst(%arg7 : memref<32000xf32, #tpu.memory_space<vmem>>)
    %mul3A_51 = arith.constant 4 : i32
    %mul3A_52 = arith.muli %add3A, %mul3A_51 : i32
    %add3A_53 = arith.constant 0 : i32
    %add3A_54 = arith.addi %mul3A_52, %add3A_53 : i32
    %dma_start3A_55 = arith.constant 32000 : i32
    %dma_start3A_56 = tpu.memref_slice %arg4[%add3A_54, %dma_start3A_55] : memref<128x160000xf32, #tpu.memory_space<hbm>> -> memref<1x32000xf32, #tpu.memory_space<hbm>>
    %dma_start3A_57 = tpu.memref_squeeze %dma_start3A_56 : memref<1x32000xf32, #tpu.memory_space<hbm>> -> memref<32000xf32, #tpu.memory_space<hbm>>
    %dma_start3A_58 = arith.constant 32000 : i32
    %dma_start3A_59 = tpu.memref_slice %arg4[%add3A_54, %dma_start3A_58] : memref<128x160000xf32, #tpu.memory_space<hbm>> -> memref<1x32000xf32, #tpu.memory_space<hbm>>
    %dma_start3A_60 = tpu.memref_squeeze %dma_start3A_59 : memref<1x32000xf32, #tpu.memory_space<hbm>> -> memref<32000xf32, #tpu.memory_space<hbm>>
    tpu.enqueue_dma source(%arg7 : memref<32000xf32, #tpu.memory_space<vmem>>) target(%dma_start3A_60 : memref<32000xf32, #tpu.memory_space<hbm>>) target_semaphore(%arg10 : memref<!tpu.dma_semaphore, #tpu.memory_space<semaphore_mem>>)
    %mul3A_61 = arith.constant 4 : i32
    %mul3A_62 = arith.muli %add3A, %mul3A_61 : i32
    %add3A_63 = arith.constant 0 : i32
    %add3A_64 = arith.addi %mul3A_62, %add3A_63 : i32
    %dma_wait3A_65 = arith.constant 0 : i32
    %dma_wait3A_66 = tpu.memref_slice %arg4[%add3A_64, %dma_wait3A_65] : memref<128x160000xf32, #tpu.memory_space<hbm>> -> memref<1x32000xf32, #tpu.memory_space<hbm>>
    %dma_wait3A_67 = tpu.memref_squeeze %dma_wait3A_66 : memref<1x32000xf32, #tpu.memory_space<hbm>> -> memref<32000xf32, #tpu.memory_space<hbm>>
    %dma_wait3A_68 = arith.constant 0 : i32
    %dma_wait3A_69 = tpu.memref_slice %arg4[%add3A_64, %dma_wait3A_68] : memref<128x160000xf32, #tpu.memory_space<hbm>> -> memref<1x32000xf32, #tpu.memory_space<hbm>>
    %dma_wait3A_70 = tpu.memref_squeeze %dma_wait3A_69 : memref<1x32000xf32, #tpu.memory_space<hbm>> -> memref<32000xf32, #tpu.memory_space<hbm>>
    tpu.wait_dma2 semaphore(%arg10 : memref<!tpu.dma_semaphore, #tpu.memory_space<semaphore_mem>>) src(%arg6 : memref<32000xf32, #tpu.memory_space<vmem>>) dst(%dma_wait3A_70 : memref<32000xf32, #tpu.memory_space<hbm>>)
    %slice3A_71 = vector.extract_strided_slice %get3A_4 {offsets = [0], sizes = [1], strides = [1]} : vector<16xi32> to vector<1xi32>
    %squeeze3A_72 = vector.extract %slice3A_71[0] : i32 from vector<1xi32>
    %dma_start3A_73 = arith.constant 96000 : i32
    %dma_start3A_74 = tpu.memref_slice %arg2[%squeeze3A_72, %dma_start3A_73] : memref<128x160000xf32, #tpu.memory_space<hbm>> -> memref<1x32000xf32, #tpu.memory_space<hbm>>
    %dma_start3A_75 = tpu.memref_squeeze %dma_start3A_74 : memref<1x32000xf32, #tpu.memory_space<hbm>> -> memref<32000xf32, #tpu.memory_space<hbm>>
    %dma_start3A_76 = arith.constant 96000 : i32
    %dma_start3A_77 = tpu.memref_slice %arg2[%squeeze3A_72, %dma_start3A_76] : memref<128x160000xf32, #tpu.memory_space<hbm>> -> memref<1x32000xf32, #tpu.memory_space<hbm>>
    %dma_start3A_78 = tpu.memref_squeeze %dma_start3A_77 : memref<1x32000xf32, #tpu.memory_space<hbm>> -> memref<32000xf32, #tpu.memory_space<hbm>>
    tpu.enqueue_dma source(%dma_start3A_78 : memref<32000xf32, #tpu.memory_space<hbm>>) target(%arg6 : memref<32000xf32, #tpu.memory_space<vmem>>) target_semaphore(%arg9 : memref<!tpu.dma_semaphore, #tpu.memory_space<semaphore_mem>>)
    %slice3A_79 = vector.extract_strided_slice %get3A_4 {offsets = [0], sizes = [1], strides = [1]} : vector<16xi32> to vector<1xi32>
    %squeeze3A_80 = vector.extract %slice3A_79[0] : i32 from vector<1xi32>
    %dma_wait3A_81 = arith.constant 64000 : i32
    %dma_wait3A_82 = tpu.memref_slice %arg2[%squeeze3A_80, %dma_wait3A_81] : memref<128x160000xf32, #tpu.memory_space<hbm>> -> memref<1x32000xf32, #tpu.memory_space<hbm>>
    %dma_wait3A_83 = tpu.memref_squeeze %dma_wait3A_82 : memref<1x32000xf32, #tpu.memory_space<hbm>> -> memref<32000xf32, #tpu.memory_space<hbm>>
    %dma_wait3A_84 = arith.constant 64000 : i32
    %dma_wait3A_85 = tpu.memref_slice %arg2[%squeeze3A_80, %dma_wait3A_84] : memref<128x160000xf32, #tpu.memory_space<hbm>> -> memref<1x32000xf32, #tpu.memory_space<hbm>>
    %dma_wait3A_86 = tpu.memref_squeeze %dma_wait3A_85 : memref<1x32000xf32, #tpu.memory_space<hbm>> -> memref<32000xf32, #tpu.memory_space<hbm>>
    tpu.wait_dma2 semaphore(%arg9 : memref<!tpu.dma_semaphore, #tpu.memory_space<semaphore_mem>>) src(%dma_wait3A_86 : memref<32000xf32, #tpu.memory_space<hbm>>) dst(%arg8 : memref<32000xf32, #tpu.memory_space<vmem>>)
    %mul3A_87 = arith.constant 4 : i32
    %mul3A_88 = arith.muli %add3A, %mul3A_87 : i32
    %add3A_89 = arith.constant 0 : i32
    %add3A_90 = arith.addi %mul3A_88, %add3A_89 : i32
    %dma_start3A_91 = arith.constant 64000 : i32
    %dma_start3A_92 = tpu.memref_slice %arg4[%add3A_90, %dma_start3A_91] : memref<128x160000xf32, #tpu.memory_space<hbm>> -> memref<1x32000xf32, #tpu.memory_space<hbm>>
    %dma_start3A_93 = tpu.memref_squeeze %dma_start3A_92 : memref<1x32000xf32, #tpu.memory_space<hbm>> -> memref<32000xf32, #tpu.memory_space<hbm>>
    %dma_start3A_94 = arith.constant 64000 : i32
    %dma_start3A_95 = tpu.memref_slice %arg4[%add3A_90, %dma_start3A_94] : memref<128x160000xf32, #tpu.memory_space<hbm>> -> memref<1x32000xf32, #tpu.memory_space<hbm>>
    %dma_start3A_96 = tpu.memref_squeeze %dma_start3A_95 : memref<1x32000xf32, #tpu.memory_space<hbm>> -> memref<32000xf32, #tpu.memory_space<hbm>>
    tpu.enqueue_dma source(%arg8 : memref<32000xf32, #tpu.memory_space<vmem>>) target(%dma_start3A_96 : memref<32000xf32, #tpu.memory_space<hbm>>) target_semaphore(%arg10 : memref<!tpu.dma_semaphore, #tpu.memory_space<semaphore_mem>>)
    %mul3A_97 = arith.constant 4 : i32
    %mul3A_98 = arith.muli %add3A, %mul3A_97 : i32
    %add3A_99 = arith.constant 0 : i32
    %add3A_100 = arith.addi %mul3A_98, %add3A_99 : i32
    %dma_wait3A_101 = arith.constant 32000 : i32
    %dma_wait3A_102 = tpu.memref_slice %arg4[%add3A_100, %dma_wait3A_101] : memref<128x160000xf32, #tpu.memory_space<hbm>> -> memref<1x32000xf32, #tpu.memory_space<hbm>>
    %dma_wait3A_103 = tpu.memref_squeeze %dma_wait3A_102 : memref<1x32000xf32, #tpu.memory_space<hbm>> -> memref<32000xf32, #tpu.memory_space<hbm>>
    %dma_wait3A_104 = arith.constant 32000 : i32
    %dma_wait3A_105 = tpu.memref_slice %arg4[%add3A_100, %dma_wait3A_104] : memref<128x160000xf32, #tpu.memory_space<hbm>> -> memref<1x32000xf32, #tpu.memory_space<hbm>>
    %dma_wait3A_106 = tpu.memref_squeeze %dma_wait3A_105 : memref<1x32000xf32, #tpu.memory_space<hbm>> -> memref<32000xf32, #tpu.memory_space<hbm>>
    tpu.wait_dma2 semaphore(%arg10 : memref<!tpu.dma_semaphore, #tpu.memory_space<semaphore_mem>>) src(%arg7 : memref<32000xf32, #tpu.memory_space<vmem>>) dst(%dma_wait3A_106 : memref<32000xf32, #tpu.memory_space<hbm>>)
    %slice3A_107 = vector.extract_strided_slice %get3A_4 {offsets = [0], sizes = [1], strides = [1]} : vector<16xi32> to vector<1xi32>
    %squeeze3A_108 = vector.extract %slice3A_107[0] : i32 from vector<1xi32>
    %dma_start3A_109 = arith.constant 128000 : i32
    %dma_start3A_110 = tpu.memref_slice %arg2[%squeeze3A_108, %dma_start3A_109] : memref<128x160000xf32, #tpu.memory_space<hbm>> -> memref<1x32000xf32, #tpu.memory_space<hbm>>
    %dma_start3A_111 = tpu.memref_squeeze %dma_start3A_110 : memref<1x32000xf32, #tpu.memory_space<hbm>> -> memref<32000xf32, #tpu.memory_space<hbm>>
    %dma_start3A_112 = arith.constant 128000 : i32
    %dma_start3A_113 = tpu.memref_slice %arg2[%squeeze3A_108, %dma_start3A_112] : memref<128x160000xf32, #tpu.memory_space<hbm>> -> memref<1x32000xf32, #tpu.memory_space<hbm>>
    %dma_start3A_114 = tpu.memref_squeeze %dma_start3A_113 : memref<1x32000xf32, #tpu.memory_space<hbm>> -> memref<32000xf32, #tpu.memory_space<hbm>>
    tpu.enqueue_dma source(%dma_start3A_114 : memref<32000xf32, #tpu.memory_space<hbm>>) target(%arg7 : memref<32000xf32, #tpu.memory_space<vmem>>) target_semaphore(%arg9 : memref<!tpu.dma_semaphore, #tpu.memory_space<semaphore_mem>>)
    %slice3A_115 = vector.extract_strided_slice %get3A_4 {offsets = [0], sizes = [1], strides = [1]} : vector<16xi32> to vector<1xi32>
    %squeeze3A_116 = vector.extract %slice3A_115[0] : i32 from vector<1xi32>
    %dma_wait3A_117 = arith.constant 96000 : i32
    %dma_wait3A_118 = tpu.memref_slice %arg2[%squeeze3A_116, %dma_wait3A_117] : memref<128x160000xf32, #tpu.memory_space<hbm>> -> memref<1x32000xf32, #tpu.memory_space<hbm>>
    %dma_wait3A_119 = tpu.memref_squeeze %dma_wait3A_118 : memref<1x32000xf32, #tpu.memory_space<hbm>> -> memref<32000xf32, #tpu.memory_space<hbm>>
    %dma_wait3A_120 = arith.constant 96000 : i32
    %dma_wait3A_121 = tpu.memref_slice %arg2[%squeeze3A_116, %dma_wait3A_120] : memref<128x160000xf32, #tpu.memory_space<hbm>> -> memref<1x32000xf32, #tpu.memory_space<hbm>>
    %dma_wait3A_122 = tpu.memref_squeeze %dma_wait3A_121 : memref<1x32000xf32, #tpu.memory_space<hbm>> -> memref<32000xf32, #tpu.memory_space<hbm>>
    tpu.wait_dma2 semaphore(%arg9 : memref<!tpu.dma_semaphore, #tpu.memory_space<semaphore_mem>>) src(%dma_wait3A_122 : memref<32000xf32, #tpu.memory_space<hbm>>) dst(%arg6 : memref<32000xf32, #tpu.memory_space<vmem>>)
    %mul3A_123 = arith.constant 4 : i32
    %mul3A_124 = arith.muli %add3A, %mul3A_123 : i32
    %add3A_125 = arith.constant 0 : i32
    %add3A_126 = arith.addi %mul3A_124, %add3A_125 : i32
    %dma_start3A_127 = arith.constant 96000 : i32
    %dma_start3A_128 = tpu.memref_slice %arg4[%add3A_126, %dma_start3A_127] : memref<128x160000xf32, #tpu.memory_space<hbm>> -> memref<1x32000xf32, #tpu.memory_space<hbm>>
    %dma_start3A_129 = tpu.memref_squeeze %dma_start3A_128 : memref<1x32000xf32, #tpu.memory_space<hbm>> -> memref<32000xf32, #tpu.memory_space<hbm>>
    %dma_start3A_130 = arith.constant 96000 : i32
    %dma_start3A_131 = tpu.memref_slice %arg4[%add3A_126, %dma_start3A_130] : memref<128x160000xf32, #tpu.memory_space<hbm>> -> memref<1x32000xf32, #tpu.memory_space<hbm>>
    %dma_start3A_132 = tpu.memref_squeeze %dma_start3A_131 : memref<1x32000xf32, #tpu.memory_space<hbm>> -> memref<32000xf32, #tpu.memory_space<hbm>>
    tpu.enqueue_dma source(%arg6 : memref<32000xf32, #tpu.memory_space<vmem>>) target(%dma_start3A_132 : memref<32000xf32, #tpu.memory_space<hbm>>) target_semaphore(%arg10 : memref<!tpu.dma_semaphore, #tpu.memory_space<semaphore_mem>>)
    %mul3A_133 = arith.constant 4 : i32
    %mul3A_134 = arith.muli %add3A, %mul3A_133 : i32
    %add3A_135 = arith.constant 0 : i32
    %add3A_136 = arith.addi %mul3A_134, %add3A_135 : i32
    %dma_wait3A_137 = arith.constant 64000 : i32
    %dma_wait3A_138 = tpu.memref_slice %arg4[%add3A_136, %dma_wait3A_137] : memref<128x160000xf32, #tpu.memory_space<hbm>> -> memref<1x32000xf32, #tpu.memory_space<hbm>>
    %dma_wait3A_139 = tpu.memref_squeeze %dma_wait3A_138 : memref<1x32000xf32, #tpu.memory_space<hbm>> -> memref<32000xf32, #tpu.memory_space<hbm>>
    %dma_wait3A_140 = arith.constant 64000 : i32
    %dma_wait3A_141 = tpu.memref_slice %arg4[%add3A_136, %dma_wait3A_140] : memref<128x160000xf32, #tpu.memory_space<hbm>> -> memref<1x32000xf32, #tpu.memory_space<hbm>>
    %dma_wait3A_142 = tpu.memref_squeeze %dma_wait3A_141 : memref<1x32000xf32, #tpu.memory_space<hbm>> -> memref<32000xf32, #tpu.memory_space<hbm>>
    tpu.wait_dma2 semaphore(%arg10 : memref<!tpu.dma_semaphore, #tpu.memory_space<semaphore_mem>>) src(%arg8 : memref<32000xf32, #tpu.memory_space<vmem>>) dst(%dma_wait3A_142 : memref<32000xf32, #tpu.memory_space<hbm>>)
    %slice3A_143 = vector.extract_strided_slice %get3A_4 {offsets = [1], sizes = [1], strides = [1]} : vector<16xi32> to vector<1xi32>
    %squeeze3A_144 = vector.extract %slice3A_143[0] : i32 from vector<1xi32>
    %dma_start3A_145 = arith.constant 0 : i32
    %dma_start3A_146 = tpu.memref_slice %arg2[%squeeze3A_144, %dma_start3A_145] : memref<128x160000xf32, #tpu.memory_space<hbm>> -> memref<1x32000xf32, #tpu.memory_space<hbm>>
    %dma_start3A_147 = tpu.memref_squeeze %dma_start3A_146 : memref<1x32000xf32, #tpu.memory_space<hbm>> -> memref<32000xf32, #tpu.memory_space<hbm>>
    %dma_start3A_148 = arith.constant 0 : i32
    %dma_start3A_149 = tpu.memref_slice %arg2[%squeeze3A_144, %dma_start3A_148] : memref<128x160000xf32, #tpu.memory_space<hbm>> -> memref<1x32000xf32, #tpu.memory_space<hbm>>
    %dma_start3A_150 = tpu.memref_squeeze %dma_start3A_149 : memref<1x32000xf32, #tpu.memory_space<hbm>> -> memref<32000xf32, #tpu.memory_space<hbm>>
    tpu.enqueue_dma source(%dma_start3A_150 : memref<32000xf32, #tpu.memory_space<hbm>>) target(%arg8 : memref<32000xf32, #tpu.memory_space<vmem>>) target_semaphore(%arg9 : memref<!tpu.dma_semaphore, #tpu.memory_space<semaphore_mem>>)
    %slice3A_151 = vector.extract_strided_slice %get3A_4 {offsets = [0], sizes = [1], strides = [1]} : vector<16xi32> to vector<1xi32>
    %squeeze3A_152 = vector.extract %slice3A_151[0] : i32 from vector<1xi32>
    %dma_wait3A_153 = arith.constant 128000 : i32
    %dma_wait3A_154 = tpu.memref_slice %arg2[%squeeze3A_152, %dma_wait3A_153] : memref<128x160000xf32, #tpu.memory_space<hbm>> -> memref<1x32000xf32, #tpu.memory_space<hbm>>
    %dma_wait3A_155 = tpu.memref_squeeze %dma_wait3A_154 : memref<1x32000xf32, #tpu.memory_space<hbm>> -> memref<32000xf32, #tpu.memory_space<hbm>>
    %dma_wait3A_156 = arith.constant 128000 : i32
    %dma_wait3A_157 = tpu.memref_slice %arg2[%squeeze3A_152, %dma_wait3A_156] : memref<128x160000xf32, #tpu.memory_space<hbm>> -> memref<1x32000xf32, #tpu.memory_space<hbm>>
    %dma_wait3A_158 = tpu.memref_squeeze %dma_wait3A_157 : memref<1x32000xf32, #tpu.memory_space<hbm>> -> memref<32000xf32, #tpu.memory_space<hbm>>
    tpu.wait_dma2 semaphore(%arg9 : memref<!tpu.dma_semaphore, #tpu.memory_space<semaphore_mem>>) src(%dma_wait3A_158 : memref<32000xf32, #tpu.memory_space<hbm>>) dst(%arg7 : memref<32000xf32, #tpu.memory_space<vmem>>)
    %mul3A_159 = arith.constant 4 : i32
    %mul3A_160 = arith.muli %add3A, %mul3A_159 : i32
    %add3A_161 = arith.constant 0 : i32
    %add3A_162 = arith.addi %mul3A_160, %add3A_161 : i32
    %dma_start3A_163 = arith.constant 128000 : i32
    %dma_start3A_164 = tpu.memref_slice %arg4[%add3A_162, %dma_start3A_163] : memref<128x160000xf32, #tpu.memory_space<hbm>> -> memref<1x32000xf32, #tpu.memory_space<hbm>>
    %dma_start3A_165 = tpu.memref_squeeze %dma_start3A_164 : memref<1x32000xf32, #tpu.memory_space<hbm>> -> memref<32000xf32, #tpu.memory_space<hbm>>
    %dma_start3A_166 = arith.constant 128000 : i32
    %dma_start3A_167 = tpu.memref_slice %arg4[%add3A_162, %dma_start3A_166] : memref<128x160000xf32, #tpu.memory_space<hbm>> -> memref<1x32000xf32, #tpu.memory_space<hbm>>
    %dma_start3A_168 = tpu.memref_squeeze %dma_start3A_167 : memref<1x32000xf32, #tpu.memory_space<hbm>> -> memref<32000xf32, #tpu.memory_space<hbm>>
    tpu.enqueue_dma source(%arg7 : memref<32000xf32, #tpu.memory_space<vmem>>) target(%dma_start3A_168 : memref<32000xf32, #tpu.memory_space<hbm>>) target_semaphore(%arg10 : memref<!tpu.dma_semaphore, #tpu.memory_space<semaphore_mem>>)
    %mul3A_169 = arith.constant 4 : i32
    %mul3A_170 = arith.muli %add3A, %mul3A_169 : i32
    %add3A_171 = arith.constant 0 : i32
    %add3A_172 = arith.addi %mul3A_170, %add3A_171 : i32
    %dma_wait3A_173 = arith.constant 96000 : i32
    %dma_wait3A_174 = tpu.memref_slice %arg4[%add3A_172, %dma_wait3A_173] : memref<128x160000xf32, #tpu.memory_space<hbm>> -> memref<1x32000xf32, #tpu.memory_space<hbm>>
    %dma_wait3A_175 = tpu.memref_squeeze %dma_wait3A_174 : memref<1x32000xf32, #tpu.memory_space<hbm>> -> memref<32000xf32, #tpu.memory_space<hbm>>
    %dma_wait3A_176 = arith.constant 96000 : i32
    %dma_wait3A_177 = tpu.memref_slice %arg4[%add3A_172, %dma_wait3A_176] : memref<128x160000xf32, #tpu.memory_space<hbm>> -> memref<1x32000xf32, #tpu.memory_space<hbm>>
    %dma_wait3A_178 = tpu.memref_squeeze %dma_wait3A_177 : memref<1x32000xf32, #tpu.memory_space<hbm>> -> memref<32000xf32, #tpu.memory_space<hbm>>
    tpu.wait_dma2 semaphore(%arg10 : memref<!tpu.dma_semaphore, #tpu.memory_space<semaphore_mem>>) src(%arg6 : memref<32000xf32, #tpu.memory_space<vmem>>) dst(%dma_wait3A_178 : memref<32000xf32, #tpu.memory_space<hbm>>)
    %slice3A_179 = vector.extract_strided_slice %get3A_4 {offsets = [1], sizes = [1], strides = [1]} : vector<16xi32> to vector<1xi32>
    %squeeze3A_180 = vector.extract %slice3A_179[0] : i32 from vector<1xi32>
    %dma_start3A_181 = arith.constant 32000 : i32
    %dma_start3A_182 = tpu.memref_slice %arg2[%squeeze3A_180, %dma_start3A_181] : memref<128x160000xf32, #tpu.memory_space<hbm>> -> memref<1x32000xf32, #tpu.memory_space<hbm>>
    %dma_start3A_183 = tpu.memref_squeeze %dma_start3A_182 : memref<1x32000xf32, #tpu.memory_space<hbm>> -> memref<32000xf32, #tpu.memory_space<hbm>>
    %dma_start3A_184 = arith.constant 32000 : i32
    %dma_start3A_185 = tpu.memref_slice %arg2[%squeeze3A_180, %dma_start3A_184] : memref<128x160000xf32, #tpu.memory_space<hbm>> -> memref<1x32000xf32, #tpu.memory_space<hbm>>
    %dma_start3A_186 = tpu.memref_squeeze %dma_start3A_185 : memref<1x32000xf32, #tpu.memory_space<hbm>> -> memref<32000xf32, #tpu.memory_space<hbm>>
    tpu.enqueue_dma source(%dma_start3A_186 : memref<32000xf32, #tpu.memory_space<hbm>>) target(%arg6 : memref<32000xf32, #tpu.memory_space<vmem>>) target_semaphore(%arg9 : memref<!tpu.dma_semaphore, #tpu.memory_space<semaphore_mem>>)
    %slice3A_187 = vector.extract_strided_slice %get3A_4 {offsets = [1], sizes = [1], strides = [1]} : vector<16xi32> to vector<1xi32>
    %squeeze3A_188 = vector.extract %slice3A_187[0] : i32 from vector<1xi32>
    %dma_wait3A_189 = arith.constant 0 : i32
    %dma_wait3A_190 = tpu.memref_slice %arg2[%squeeze3A_188, %dma_wait3A_189] : memref<128x160000xf32, #tpu.memory_space<hbm>> -> memref<1x32000xf32, #tpu.memory_space<hbm>>
    %dma_wait3A_191 = tpu.memref_squeeze %dma_wait3A_190 : memref<1x32000xf32, #tpu.memory_space<hbm>> -> memref<32000xf32, #tpu.memory_space<hbm>>
    %dma_wait3A_192 = arith.constant 0 : i32
    %dma_wait3A_193 = tpu.memref_slice %arg2[%squeeze3A_188, %dma_wait3A_192] : memref<128x160000xf32, #tpu.memory_space<hbm>> -> memref<1x32000xf32, #tpu.memory_space<hbm>>
    %dma_wait3A_194 = tpu.memref_squeeze %dma_wait3A_193 : memref<1x32000xf32, #tpu.memory_space<hbm>> -> memref<32000xf32, #tpu.memory_space<hbm>>
    tpu.wait_dma2 semaphore(%arg9 : memref<!tpu.dma_semaphore, #tpu.memory_space<semaphore_mem>>) src(%dma_wait3A_194 : memref<32000xf32, #tpu.memory_space<hbm>>) dst(%arg8 : memref<32000xf32, #tpu.memory_space<vmem>>)
    %mul3A_195 = arith.constant 4 : i32
    %mul3A_196 = arith.muli %add3A, %mul3A_195 : i32
    %add3A_197 = arith.constant 1 : i32
    %add3A_198 = arith.addi %mul3A_196, %add3A_197 : i32
    %dma_start3A_199 = arith.constant 0 : i32
    %dma_start3A_200 = tpu.memref_slice %arg4[%add3A_198, %dma_start3A_199] : memref<128x160000xf32, #tpu.memory_space<hbm>> -> memref<1x32000xf32, #tpu.memory_space<hbm>>
    %dma_start3A_201 = tpu.memref_squeeze %dma_start3A_200 : memref<1x32000xf32, #tpu.memory_space<hbm>> -> memref<32000xf32, #tpu.memory_space<hbm>>
    %dma_start3A_202 = arith.constant 0 : i32
    %dma_start3A_203 = tpu.memref_slice %arg4[%add3A_198, %dma_start3A_202] : memref<128x160000xf32, #tpu.memory_space<hbm>> -> memref<1x32000xf32, #tpu.memory_space<hbm>>
    %dma_start3A_204 = tpu.memref_squeeze %dma_start3A_203 : memref<1x32000xf32, #tpu.memory_space<hbm>> -> memref<32000xf32, #tpu.memory_space<hbm>>
    tpu.enqueue_dma source(%arg8 : memref<32000xf32, #tpu.memory_space<vmem>>) target(%dma_start3A_204 : memref<32000xf32, #tpu.memory_space<hbm>>) target_semaphore(%arg10 : memref<!tpu.dma_semaphore, #tpu.memory_space<semaphore_mem>>)
    %mul3A_205 = arith.constant 4 : i32
    %mul3A_206 = arith.muli %add3A, %mul3A_205 : i32
    %add3A_207 = arith.constant 0 : i32
    %add3A_208 = arith.addi %mul3A_206, %add3A_207 : i32
    %dma_wait3A_209 = arith.constant 128000 : i32
    %dma_wait3A_210 = tpu.memref_slice %arg4[%add3A_208, %dma_wait3A_209] : memref<128x160000xf32, #tpu.memory_space<hbm>> -> memref<1x32000xf32, #tpu.memory_space<hbm>>
    %dma_wait3A_211 = tpu.memref_squeeze %dma_wait3A_210 : memref<1x32000xf32, #tpu.memory_space<hbm>> -> memref<32000xf32, #tpu.memory_space<hbm>>
    %dma_wait3A_212 = arith.constant 128000 : i32
    %dma_wait3A_213 = tpu.memref_slice %arg4[%add3A_208, %dma_wait3A_212] : memref<128x160000xf32, #tpu.memory_space<hbm>> -> memref<1x32000xf32, #tpu.memory_space<hbm>>
    %dma_wait3A_214 = tpu.memref_squeeze %dma_wait3A_213 : memref<1x32000xf32, #tpu.memory_space<hbm>> -> memref<32000xf32, #tpu.memory_space<hbm>>
    tpu.wait_dma2 semaphore(%arg10 : memref<!tpu.dma_semaphore, #tpu.memory_space<semaphore_mem>>) src(%arg7 : memref<32000xf32, #tpu.memory_space<vmem>>) dst(%dma_wait3A_214 : memref<32000xf32, #tpu.memory_space<hbm>>)
    %slice3A_215 = vector.extract_strided_slice %get3A_4 {offsets = [1], sizes = [1], strides = [1]} : vector<16xi32> to vector<1xi32>
    %squeeze3A_216 = vector.extract %slice3A_215[0] : i32 from vector<1xi32>
    %dma_start3A_217 = arith.constant 64000 : i32
    %dma_start3A_218 = tpu.memref_slice %arg2[%squeeze3A_216, %dma_start3A_217] : memref<128x160000xf32, #tpu.memory_space<hbm>> -> memref<1x32000xf32, #tpu.memory_space<hbm>>
    %dma_start3A_219 = tpu.memref_squeeze %dma_start3A_218 : memref<1x32000xf32, #tpu.memory_space<hbm>> -> memref<32000xf32, #tpu.memory_space<hbm>>
    %dma_start3A_220 = arith.constant 64000 : i32
    %dma_start3A_221 = tpu.memref_slice %arg2[%squeeze3A_216, %dma_start3A_220] : memref<128x160000xf32, #tpu.memory_space<hbm>> -> memref<1x32000xf32, #tpu.memory_space<hbm>>
    %dma_start3A_222 = tpu.memref_squeeze %dma_start3A_221 : memref<1x32000xf32, #tpu.memory_space<hbm>> -> memref<32000xf32, #tpu.memory_space<hbm>>
    tpu.enqueue_dma source(%dma_start3A_222 : memref<32000xf32, #tpu.memory_space<hbm>>) target(%arg7 : memref<32000xf32, #tpu.memory_space<vmem>>) target_semaphore(%arg9 : memref<!tpu.dma_semaphore, #tpu.memory_space<semaphore_mem>>)
    %slice3A_223 = vector.extract_strided_slice %get3A_4 {offsets = [1], sizes = [1], strides = [1]} : vector<16xi32> to vector<1xi32>
    %squeeze3A_224 = vector.extract %slice3A_223[0] : i32 from vector<1xi32>
    %dma_wait3A_225 = arith.constant 32000 : i32
    %dma_wait3A_226 = tpu.memref_slice %arg2[%squeeze3A_224, %dma_wait3A_225] : memref<128x160000xf32, #tpu.memory_space<hbm>> -> memref<1x32000xf32, #tpu.memory_space<hbm>>
    %dma_wait3A_227 = tpu.memref_squeeze %dma_wait3A_226 : memref<1x32000xf32, #tpu.memory_space<hbm>> -> memref<32000xf32, #tpu.memory_space<hbm>>
    %dma_wait3A_228 = arith.constant 32000 : i32
    %dma_wait3A_229 = tpu.memref_slice %arg2[%squeeze3A_224, %dma_wait3A_228] : memref<128x160000xf32, #tpu.memory_space<hbm>> -> memref<1x32000xf32, #tpu.memory_space<hbm>>
    %dma_wait3A_230 = tpu.memref_squeeze %dma_wait3A_229 : memref<1x32000xf32, #tpu.memory_space<hbm>> -> memref<32000xf32, #tpu.memory_space<hbm>>
    tpu.wait_dma2 semaphore(%arg9 : memref<!tpu.dma_semaphore, #tpu.memory_space<semaphore_mem>>) src(%dma_wait3A_230 : memref<32000xf32, #tpu.memory_space<hbm>>) dst(%arg6 : memref<32000xf32, #tpu.memory_space<vmem>>)
    %mul3A_231 = arith.constant 4 : i32
    %mul3A_232 = arith.muli %add3A, %mul3A_231 : i32
    %add3A_233 = arith.constant 1 : i32
    %add3A_234 = arith.addi %mul3A_232, %add3A_233 : i32
    %dma_start3A_235 = arith.constant 32000 : i32
    %dma_start3A_236 = tpu.memref_slice %arg4[%add3A_234, %dma_start3A_235] : memref<128x160000xf32, #tpu.memory_space<hbm>> -> memref<1x32000xf32, #tpu.memory_space<hbm>>
    %dma_start3A_237 = tpu.memref_squeeze %dma_start3A_236 : memref<1x32000xf32, #tpu.memory_space<hbm>> -> memref<32000xf32, #tpu.memory_space<hbm>>
    %dma_start3A_238 = arith.constant 32000 : i32
    %dma_start3A_239 = tpu.memref_slice %arg4[%add3A_234, %dma_start3A_238] : memref<128x160000xf32, #tpu.memory_space<hbm>> -> memref<1x32000xf32, #tpu.memory_space<hbm>>
    %dma_start3A_240 = tpu.memref_squeeze %dma_start3A_239 : memref<1x32000xf32, #tpu.memory_space<hbm>> -> memref<32000xf32, #tpu.memory_space<hbm>>
    tpu.enqueue_dma source(%arg6 : memref<32000xf32, #tpu.memory_space<vmem>>) target(%dma_start3A_240 : memref<32000xf32, #tpu.memory_space<hbm>>) target_semaphore(%arg10 : memref<!tpu.dma_semaphore, #tpu.memory_space<semaphore_mem>>)
    %mul3A_241 = arith.constant 4 : i32
    %mul3A_242 = arith.muli %add3A, %mul3A_241 : i32
    %add3A_243 = arith.constant 1 : i32
    %add3A_244 = arith.addi %mul3A_242, %add3A_243 : i32
    %dma_wait3A_245 = arith.constant 0 : i32
    %dma_wait3A_246 = tpu.memref_slice %arg4[%add3A_244, %dma_wait3A_245] : memref<128x160000xf32, #tpu.memory_space<hbm>> -> memref<1x32000xf32, #tpu.memory_space<hbm>>
    %dma_wait3A_247 = tpu.memref_squeeze %dma_wait3A_246 : memref<1x32000xf32, #tpu.memory_space<hbm>> -> memref<32000xf32, #tpu.memory_space<hbm>>
    %dma_wait3A_248 = arith.constant 0 : i32
    %dma_wait3A_249 = tpu.memref_slice %arg4[%add3A_244, %dma_wait3A_248] : memref<128x160000xf32, #tpu.memory_space<hbm>> -> memref<1x32000xf32, #tpu.memory_space<hbm>>
    %dma_wait3A_250 = tpu.memref_squeeze %dma_wait3A_249 : memref<1x32000xf32, #tpu.memory_space<hbm>> -> memref<32000xf32, #tpu.memory_space<hbm>>
    tpu.wait_dma2 semaphore(%arg10 : memref<!tpu.dma_semaphore, #tpu.memory_space<semaphore_mem>>) src(%arg8 : memref<32000xf32, #tpu.memory_space<vmem>>) dst(%dma_wait3A_250 : memref<32000xf32, #tpu.memory_space<hbm>>)
    %slice3A_251 = vector.extract_strided_slice %get3A_4 {offsets = [1], sizes = [1], strides = [1]} : vector<16xi32> to vector<1xi32>
    %squeeze3A_252 = vector.extract %slice3A_251[0] : i32 from vector<1xi32>
    %dma_start3A_253 = arith.constant 96000 : i32
    %dma_start3A_254 = tpu.memref_slice %arg2[%squeeze3A_252, %dma_start3A_253] : memref<128x160000xf32, #tpu.memory_space<hbm>> -> memref<1x32000xf32, #tpu.memory_space<hbm>>
    %dma_start3A_255 = tpu.memref_squeeze %dma_start3A_254 : memref<1x32000xf32, #tpu.memory_space<hbm>> -> memref<32000xf32, #tpu.memory_space<hbm>>
    %dma_start3A_256 = arith.constant 96000 : i32
    %dma_start3A_257 = tpu.memref_slice %arg2[%squeeze3A_252, %dma_start3A_256] : memref<128x160000xf32, #tpu.memory_space<hbm>> -> memref<1x32000xf32, #tpu.memory_space<hbm>>
    %dma_start3A_258 = tpu.memref_squeeze %dma_start3A_257 : memref<1x32000xf32, #tpu.memory_space<hbm>> -> memref<32000xf32, #tpu.memory_space<hbm>>
    tpu.enqueue_dma source(%dma_start3A_258 : memref<32000xf32, #tpu.memory_space<hbm>>) target(%arg8 : memref<32000xf32, #tpu.memory_space<vmem>>) target_semaphore(%arg9 : memref<!tpu.dma_semaphore, #tpu.memory_space<semaphore_mem>>)
    %slice3A_259 = vector.extract_strided_slice %get3A_4 {offsets = [1], sizes = [1], strides = [1]} : vector<16xi32> to vector<1xi32>
    %squeeze3A_260 = vector.extract %slice3A_259[0] : i32 from vector<1xi32>
    %dma_wait3A_261 = arith.constant 64000 : i32
    %dma_wait3A_262 = tpu.memref_slice %arg2[%squeeze3A_260, %dma_wait3A_261] : memref<128x160000xf32, #tpu.memory_space<hbm>> -> memref<1x32000xf32, #tpu.memory_space<hbm>>
    %dma_wait3A_263 = tpu.memref_squeeze %dma_wait3A_262 : memref<1x32000xf32, #tpu.memory_space<hbm>> -> memref<32000xf32, #tpu.memory_space<hbm>>
    %dma_wait3A_264 = arith.constant 64000 : i32
    %dma_wait3A_265 = tpu.memref_slice %arg2[%squeeze3A_260, %dma_wait3A_264] : memref<128x160000xf32, #tpu.memory_space<hbm>> -> memref<1x32000xf32, #tpu.memory_space<hbm>>
    %dma_wait3A_266 = tpu.memref_squeeze %dma_wait3A_265 : memref<1x32000xf32, #tpu.memory_space<hbm>> -> memref<32000xf32, #tpu.memory_space<hbm>>
    tpu.wait_dma2 semaphore(%arg9 : memref<!tpu.dma_semaphore, #tpu.memory_space<semaphore_mem>>) src(%dma_wait3A_266 : memref<32000xf32, #tpu.memory_space<hbm>>) dst(%arg7 : memref<32000xf32, #tpu.memory_space<vmem>>)
    %mul3A_267 = arith.constant 4 : i32
    %mul3A_268 = arith.muli %add3A, %mul3A_267 : i32
    %add3A_269 = arith.constant 1 : i32
    %add3A_270 = arith.addi %mul3A_268, %add3A_269 : i32
    %dma_start3A_271 = arith.constant 64000 : i32
    %dma_start3A_272 = tpu.memref_slice %arg4[%add3A_270, %dma_start3A_271] : memref<128x160000xf32, #tpu.memory_space<hbm>> -> memref<1x32000xf32, #tpu.memory_space<hbm>>
    %dma_start3A_273 = tpu.memref_squeeze %dma_start3A_272 : memref<1x32000xf32, #tpu.memory_space<hbm>> -> memref<32000xf32, #tpu.memory_space<hbm>>
    %dma_start3A_274 = arith.constant 64000 : i32
    %dma_start3A_275 = tpu.memref_slice %arg4[%add3A_270, %dma_start3A_274] : memref<128x160000xf32, #tpu.memory_space<hbm>> -> memref<1x32000xf32, #tpu.memory_space<hbm>>
    %dma_start3A_276 = tpu.memref_squeeze %dma_start3A_275 : memref<1x32000xf32, #tpu.memory_space<hbm>> -> memref<32000xf32, #tpu.memory_space<hbm>>
    tpu.enqueue_dma source(%arg7 : memref<32000xf32, #tpu.memory_space<vmem>>) target(%dma_start3A_276 : memref<32000xf32, #tpu.memory_space<hbm>>) target_semaphore(%arg10 : memref<!tpu.dma_semaphore, #tpu.memory_space<semaphore_mem>>)
    %mul3A_277 = arith.constant 4 : i32
    %mul3A_278 = arith.muli %add3A, %mul3A_277 : i32
    %add3A_279 = arith.constant 1 : i32
    %add3A_280 = arith.addi %mul3A_278, %add3A_279 : i32
    %dma_wait3A_281 = arith.constant 32000 : i32
    %dma_wait3A_282 = tpu.memref_slice %arg4[%add3A_280, %dma_wait3A_281] : memref<128x160000xf32, #tpu.memory_space<hbm>> -> memref<1x32000xf32, #tpu.memory_space<hbm>>
    %dma_wait3A_283 = tpu.memref_squeeze %dma_wait3A_282 : memref<1x32000xf32, #tpu.memory_space<hbm>> -> memref<32000xf32, #tpu.memory_space<hbm>>
    %dma_wait3A_284 = arith.constant 32000 : i32
    %dma_wait3A_285 = tpu.memref_slice %arg4[%add3A_280, %dma_wait3A_284] : memref<128x160000xf32, #tpu.memory_space<hbm>> -> memref<1x32000xf32, #tpu.memory_space<hbm>>
    %dma_wait3A_286 = tpu.memref_squeeze %dma_wait3A_285 : memref<1x32000xf32, #tpu.memory_space<hbm>> -> memref<32000xf32, #tpu.memory_space<hbm>>
    tpu.wait_dma2 semaphore(%arg10 : memref<!tpu.dma_semaphore, #tpu.memory_space<semaphore_mem>>) src(%arg6 : memref<32000xf32, #tpu.memory_space<vmem>>) dst(%dma_wait3A_286 : memref<32000xf32, #tpu.memory_space<hbm>>)
    %slice3A_287 = vector.extract_strided_slice %get3A_4 {offsets = [1], sizes = [1], strides = [1]} : vector<16xi32> to vector<1xi32>
    %squeeze3A_288 = vector.extract %slice3A_287[0] : i32 from vector<1xi32>
    %dma_start3A_289 = arith.constant 128000 : i32
    %dma_start3A_290 = tpu.memref_slice %arg2[%squeeze3A_288, %dma_start3A_289] : memref<128x160000xf32, #tpu.memory_space<hbm>> -> memref<1x32000xf32, #tpu.memory_space<hbm>>
    %dma_start3A_291 = tpu.memref_squeeze %dma_start3A_290 : memref<1x32000xf32, #tpu.memory_space<hbm>> -> memref<32000xf32, #tpu.memory_space<hbm>>
    %dma_start3A_292 = arith.constant 128000 : i32
    %dma_start3A_293 = tpu.memref_slice %arg2[%squeeze3A_288, %dma_start3A_292] : memref<128x160000xf32, #tpu.memory_space<hbm>> -> memref<1x32000xf32, #tpu.memory_space<hbm>>
    %dma_start3A_294 = tpu.memref_squeeze %dma_start3A_293 : memref<1x32000xf32, #tpu.memory_space<hbm>> -> memref<32000xf32, #tpu.memory_space<hbm>>
    tpu.enqueue_dma source(%dma_start3A_294 : memref<32000xf32, #tpu.memory_space<hbm>>) target(%arg6 : memref<32000xf32, #tpu.memory_space<vmem>>) target_semaphore(%arg9 : memref<!tpu.dma_semaphore, #tpu.memory_space<semaphore_mem>>)
    %slice3A_295 = vector.extract_strided_slice %get3A_4 {offsets = [1], sizes = [1], strides = [1]} : vector<16xi32> to vector<1xi32>
    %squeeze3A_296 = vector.extract %slice3A_295[0] : i32 from vector<1xi32>
    %dma_wait3A_297 = arith.constant 96000 : i32
    %dma_wait3A_298 = tpu.memref_slice %arg2[%squeeze3A_296, %dma_wait3A_297] : memref<128x160000xf32, #tpu.memory_space<hbm>> -> memref<1x32000xf32, #tpu.memory_space<hbm>>
    %dma_wait3A_299 = tpu.memref_squeeze %dma_wait3A_298 : memref<1x32000xf32, #tpu.memory_space<hbm>> -> memref<32000xf32, #tpu.memory_space<hbm>>
    %dma_wait3A_300 = arith.constant 96000 : i32
    %dma_wait3A_301 = tpu.memref_slice %arg2[%squeeze3A_296, %dma_wait3A_300] : memref<128x160000xf32, #tpu.memory_space<hbm>> -> memref<1x32000xf32, #tpu.memory_space<hbm>>
    %dma_wait3A_302 = tpu.memref_squeeze %dma_wait3A_301 : memref<1x32000xf32, #tpu.memory_space<hbm>> -> memref<32000xf32, #tpu.memory_space<hbm>>
    tpu.wait_dma2 semaphore(%arg9 : memref<!tpu.dma_semaphore, #tpu.memory_space<semaphore_mem>>) src(%dma_wait3A_302 : memref<32000xf32, #tpu.memory_space<hbm>>) dst(%arg8 : memref<32000xf32, #tpu.memory_space<vmem>>)
    %mul3A_303 = arith.constant 4 : i32
    %mul3A_304 = arith.muli %add3A, %mul3A_303 : i32
    %add3A_305 = arith.constant 1 : i32
    %add3A_306 = arith.addi %mul3A_304, %add3A_305 : i32
    %dma_start3A_307 = arith.constant 96000 : i32
    %dma_start3A_308 = tpu.memref_slice %arg4[%add3A_306, %dma_start3A_307] : memref<128x160000xf32, #tpu.memory_space<hbm>> -> memref<1x32000xf32, #tpu.memory_space<hbm>>
    %dma_start3A_309 = tpu.memref_squeeze %dma_start3A_308 : memref<1x32000xf32, #tpu.memory_space<hbm>> -> memref<32000xf32, #tpu.memory_space<hbm>>
    %dma_start3A_310 = arith.constant 96000 : i32
    %dma_start3A_311 = tpu.memref_slice %arg4[%add3A_306, %dma_start3A_310] : memref<128x160000xf32, #tpu.memory_space<hbm>> -> memref<1x32000xf32, #tpu.memory_space<hbm>>
    %dma_start3A_312 = tpu.memref_squeeze %dma_start3A_311 : memref<1x32000xf32, #tpu.memory_space<hbm>> -> memref<32000xf32, #tpu.memory_space<hbm>>
    tpu.enqueue_dma source(%arg8 : memref<32000xf32, #tpu.memory_space<vmem>>) target(%dma_start3A_312 : memref<32000xf32, #tpu.memory_space<hbm>>) target_semaphore(%arg10 : memref<!tpu.dma_semaphore, #tpu.memory_space<semaphore_mem>>)
    %mul3A_313 = arith.constant 4 : i32
    %mul3A_314 = arith.muli %add3A, %mul3A_313 : i32
    %add3A_315 = arith.constant 1 : i32
    %add3A_316 = arith.addi %mul3A_314, %add3A_315 : i32
    %dma_wait3A_317 = arith.constant 64000 : i32
    %dma_wait3A_318 = tpu.memref_slice %arg4[%add3A_316, %dma_wait3A_317] : memref<128x160000xf32, #tpu.memory_space<hbm>> -> memref<1x32000xf32, #tpu.memory_space<hbm>>
    %dma_wait3A_319 = tpu.memref_squeeze %dma_wait3A_318 : memref<1x32000xf32, #tpu.memory_space<hbm>> -> memref<32000xf32, #tpu.memory_space<hbm>>
    %dma_wait3A_320 = arith.constant 64000 : i32
    %dma_wait3A_321 = tpu.memref_slice %arg4[%add3A_316, %dma_wait3A_320] : memref<128x160000xf32, #tpu.memory_space<hbm>> -> memref<1x32000xf32, #tpu.memory_space<hbm>>
    %dma_wait3A_322 = tpu.memref_squeeze %dma_wait3A_321 : memref<1x32000xf32, #tpu.memory_space<hbm>> -> memref<32000xf32, #tpu.memory_space<hbm>>
    tpu.wait_dma2 semaphore(%arg10 : memref<!tpu.dma_semaphore, #tpu.memory_space<semaphore_mem>>) src(%arg7 : memref<32000xf32, #tpu.memory_space<vmem>>) dst(%dma_wait3A_322 : memref<32000xf32, #tpu.memory_space<hbm>>)
    %slice3A_323 = vector.extract_strided_slice %get3A_4 {offsets = [2], sizes = [1], strides = [1]} : vector<16xi32> to vector<1xi32>
    %squeeze3A_324 = vector.extract %slice3A_323[0] : i32 from vector<1xi32>
    %dma_start3A_325 = arith.constant 0 : i32
    %dma_start3A_326 = tpu.memref_slice %arg2[%squeeze3A_324, %dma_start3A_325] : memref<128x160000xf32, #tpu.memory_space<hbm>> -> memref<1x32000xf32, #tpu.memory_space<hbm>>
    %dma_start3A_327 = tpu.memref_squeeze %dma_start3A_326 : memref<1x32000xf32, #tpu.memory_space<hbm>> -> memref<32000xf32, #tpu.memory_space<hbm>>
    %dma_start3A_328 = arith.constant 0 : i32
    %dma_start3A_329 = tpu.memref_slice %arg2[%squeeze3A_324, %dma_start3A_328] : memref<128x160000xf32, #tpu.memory_space<hbm>> -> memref<1x32000xf32, #tpu.memory_space<hbm>>
    %dma_start3A_330 = tpu.memref_squeeze %dma_start3A_329 : memref<1x32000xf32, #tpu.memory_space<hbm>> -> memref<32000xf32, #tpu.memory_space<hbm>>
    tpu.enqueue_dma source(%dma_start3A_330 : memref<32000xf32, #tpu.memory_space<hbm>>) target(%arg7 : memref<32000xf32, #tpu.memory_space<vmem>>) target_semaphore(%arg9 : memref<!tpu.dma_semaphore, #tpu.memory_space<semaphore_mem>>)
    %slice3A_331 = vector.extract_strided_slice %get3A_4 {offsets = [1], sizes = [1], strides = [1]} : vector<16xi32> to vector<1xi32>
    %squeeze3A_332 = vector.extract %slice3A_331[0] : i32 from vector<1xi32>
    %dma_wait3A_333 = arith.constant 128000 : i32
    %dma_wait3A_334 = tpu.memref_slice %arg2[%squeeze3A_332, %dma_wait3A_333] : memref<128x160000xf32, #tpu.memory_space<hbm>> -> memref<1x32000xf32, #tpu.memory_space<hbm>>
    %dma_wait3A_335 = tpu.memref_squeeze %dma_wait3A_334 : memref<1x32000xf32, #tpu.memory_space<hbm>> -> memref<32000xf32, #tpu.memory_space<hbm>>
    %dma_wait3A_336 = arith.constant 128000 : i32
    %dma_wait3A_337 = tpu.memref_slice %arg2[%squeeze3A_332, %dma_wait3A_336] : memref<128x160000xf32, #tpu.memory_space<hbm>> -> memref<1x32000xf32, #tpu.memory_space<hbm>>
    %dma_wait3A_338 = tpu.memref_squeeze %dma_wait3A_337 : memref<1x32000xf32, #tpu.memory_space<hbm>> -> memref<32000xf32, #tpu.memory_space<hbm>>
    tpu.wait_dma2 semaphore(%arg9 : memref<!tpu.dma_semaphore, #tpu.memory_space<semaphore_mem>>) src(%dma_wait3A_338 : memref<32000xf32, #tpu.memory_space<hbm>>) dst(%arg6 : memref<32000xf32, #tpu.memory_space<vmem>>)
    %mul3A_339 = arith.constant 4 : i32
    %mul3A_340 = arith.muli %add3A, %mul3A_339 : i32
    %add3A_341 = arith.constant 1 : i32
    %add3A_342 = arith.addi %mul3A_340, %add3A_341 : i32
    %dma_start3A_343 = arith.constant 128000 : i32
    %dma_start3A_344 = tpu.memref_slice %arg4[%add3A_342, %dma_start3A_343] : memref<128x160000xf32, #tpu.memory_space<hbm>> -> memref<1x32000xf32, #tpu.memory_space<hbm>>
    %dma_start3A_345 = tpu.memref_squeeze %dma_start3A_344 : memref<1x32000xf32, #tpu.memory_space<hbm>> -> memref<32000xf32, #tpu.memory_space<hbm>>
    %dma_start3A_346 = arith.constant 128000 : i32
    %dma_start3A_347 = tpu.memref_slice %arg4[%add3A_342, %dma_start3A_346] : memref<128x160000xf32, #tpu.memory_space<hbm>> -> memref<1x32000xf32, #tpu.memory_space<hbm>>
    %dma_start3A_348 = tpu.memref_squeeze %dma_start3A_347 : memref<1x32000xf32, #tpu.memory_space<hbm>> -> memref<32000xf32, #tpu.memory_space<hbm>>
    tpu.enqueue_dma source(%arg6 : memref<32000xf32, #tpu.memory_space<vmem>>) target(%dma_start3A_348 : memref<32000xf32, #tpu.memory_space<hbm>>) target_semaphore(%arg10 : memref<!tpu.dma_semaphore, #tpu.memory_space<semaphore_mem>>)
    %mul3A_349 = arith.constant 4 : i32
    %mul3A_350 = arith.muli %add3A, %mul3A_349 : i32
    %add3A_351 = arith.constant 1 : i32
    %add3A_352 = arith.addi %mul3A_350, %add3A_351 : i32
    %dma_wait3A_353 = arith.constant 96000 : i32
    %dma_wait3A_354 = tpu.memref_slice %arg4[%add3A_352, %dma_wait3A_353] : memref<128x160000xf32, #tpu.memory_space<hbm>> -> memref<1x32000xf32, #tpu.memory_space<hbm>>
    %dma_wait3A_355 = tpu.memref_squeeze %dma_wait3A_354 : memref<1x32000xf32, #tpu.memory_space<hbm>> -> memref<32000xf32, #tpu.memory_space<hbm>>
    %dma_wait3A_356 = arith.constant 96000 : i32
    %dma_wait3A_357 = tpu.memref_slice %arg4[%add3A_352, %dma_wait3A_356] : memref<128x160000xf32, #tpu.memory_space<hbm>> -> memref<1x32000xf32, #tpu.memory_space<hbm>>
    %dma_wait3A_358 = tpu.memref_squeeze %dma_wait3A_357 : memref<1x32000xf32, #tpu.memory_space<hbm>> -> memref<32000xf32, #tpu.memory_space<hbm>>
    tpu.wait_dma2 semaphore(%arg10 : memref<!tpu.dma_semaphore, #tpu.memory_space<semaphore_mem>>) src(%arg8 : memref<32000xf32, #tpu.memory_space<vmem>>) dst(%dma_wait3A_358 : memref<32000xf32, #tpu.memory_space<hbm>>)
    %slice3A_359 = vector.extract_strided_slice %get3A_4 {offsets = [2], sizes = [1], strides = [1]} : vector<16xi32> to vector<1xi32>
    %squeeze3A_360 = vector.extract %slice3A_359[0] : i32 from vector<1xi32>
    %dma_start3A_361 = arith.constant 32000 : i32
    %dma_start3A_362 = tpu.memref_slice %arg2[%squeeze3A_360, %dma_start3A_361] : memref<128x160000xf32, #tpu.memory_space<hbm>> -> memref<1x32000xf32, #tpu.memory_space<hbm>>
    %dma_start3A_363 = tpu.memref_squeeze %dma_start3A_362 : memref<1x32000xf32, #tpu.memory_space<hbm>> -> memref<32000xf32, #tpu.memory_space<hbm>>
    %dma_start3A_364 = arith.constant 32000 : i32
    %dma_start3A_365 = tpu.memref_slice %arg2[%squeeze3A_360, %dma_start3A_364] : memref<128x160000xf32, #tpu.memory_space<hbm>> -> memref<1x32000xf32, #tpu.memory_space<hbm>>
    %dma_start3A_366 = tpu.memref_squeeze %dma_start3A_365 : memref<1x32000xf32, #tpu.memory_space<hbm>> -> memref<32000xf32, #tpu.memory_space<hbm>>
    tpu.enqueue_dma source(%dma_start3A_366 : memref<32000xf32, #tpu.memory_space<hbm>>) target(%arg8 : memref<32000xf32, #tpu.memory_space<vmem>>) target_semaphore(%arg9 : memref<!tpu.dma_semaphore, #tpu.memory_space<semaphore_mem>>)
    %slice3A_367 = vector.extract_strided_slice %get3A_4 {offsets = [2], sizes = [1], strides = [1]} : vector<16xi32> to vector<1xi32>
    %squeeze3A_368 = vector.extract %slice3A_367[0] : i32 from vector<1xi32>
    %dma_wait3A_369 = arith.constant 0 : i32
    %dma_wait3A_370 = tpu.memref_slice %arg2[%squeeze3A_368, %dma_wait3A_369] : memref<128x160000xf32, #tpu.memory_space<hbm>> -> memref<1x32000xf32, #tpu.memory_space<hbm>>
    %dma_wait3A_371 = tpu.memref_squeeze %dma_wait3A_370 : memref<1x32000xf32, #tpu.memory_space<hbm>> -> memref<32000xf32, #tpu.memory_space<hbm>>
    %dma_wait3A_372 = arith.constant 0 : i32
    %dma_wait3A_373 = tpu.memref_slice %arg2[%squeeze3A_368, %dma_wait3A_372] : memref<128x160000xf32, #tpu.memory_space<hbm>> -> memref<1x32000xf32, #tpu.memory_space<hbm>>
    %dma_wait3A_374 = tpu.memref_squeeze %dma_wait3A_373 : memref<1x32000xf32, #tpu.memory_space<hbm>> -> memref<32000xf32, #tpu.memory_space<hbm>>
    tpu.wait_dma2 semaphore(%arg9 : memref<!tpu.dma_semaphore, #tpu.memory_space<semaphore_mem>>) src(%dma_wait3A_374 : memref<32000xf32, #tpu.memory_space<hbm>>) dst(%arg7 : memref<32000xf32, #tpu.memory_space<vmem>>)
    %mul3A_375 = arith.constant 4 : i32
    %mul3A_376 = arith.muli %add3A, %mul3A_375 : i32
    %add3A_377 = arith.constant 2 : i32
    %add3A_378 = arith.addi %mul3A_376, %add3A_377 : i32
    %dma_start3A_379 = arith.constant 0 : i32
    %dma_start3A_380 = tpu.memref_slice %arg4[%add3A_378, %dma_start3A_379] : memref<128x160000xf32, #tpu.memory_space<hbm>> -> memref<1x32000xf32, #tpu.memory_space<hbm>>
    %dma_start3A_381 = tpu.memref_squeeze %dma_start3A_380 : memref<1x32000xf32, #tpu.memory_space<hbm>> -> memref<32000xf32, #tpu.memory_space<hbm>>
    %dma_start3A_382 = arith.constant 0 : i32
    %dma_start3A_383 = tpu.memref_slice %arg4[%add3A_378, %dma_start3A_382] : memref<128x160000xf32, #tpu.memory_space<hbm>> -> memref<1x32000xf32, #tpu.memory_space<hbm>>
    %dma_start3A_384 = tpu.memref_squeeze %dma_start3A_383 : memref<1x32000xf32, #tpu.memory_space<hbm>> -> memref<32000xf32, #tpu.memory_space<hbm>>
    tpu.enqueue_dma source(%arg7 : memref<32000xf32, #tpu.memory_space<vmem>>) target(%dma_start3A_384 : memref<32000xf32, #tpu.memory_space<hbm>>) target_semaphore(%arg10 : memref<!tpu.dma_semaphore, #tpu.memory_space<semaphore_mem>>)
    %mul3A_385 = arith.constant 4 : i32
    %mul3A_386 = arith.muli %add3A, %mul3A_385 : i32
    %add3A_387 = arith.constant 1 : i32
    %add3A_388 = arith.addi %mul3A_386, %add3A_387 : i32
    %dma_wait3A_389 = arith.constant 128000 : i32
    %dma_wait3A_390 = tpu.memref_slice %arg4[%add3A_388, %dma_wait3A_389] : memref<128x160000xf32, #tpu.memory_space<hbm>> -> memref<1x32000xf32, #tpu.memory_space<hbm>>
    %dma_wait3A_391 = tpu.memref_squeeze %dma_wait3A_390 : memref<1x32000xf32, #tpu.memory_space<hbm>> -> memref<32000xf32, #tpu.memory_space<hbm>>
    %dma_wait3A_392 = arith.constant 128000 : i32
    %dma_wait3A_393 = tpu.memref_slice %arg4[%add3A_388, %dma_wait3A_392] : memref<128x160000xf32, #tpu.memory_space<hbm>> -> memref<1x32000xf32, #tpu.memory_space<hbm>>
    %dma_wait3A_394 = tpu.memref_squeeze %dma_wait3A_393 : memref<1x32000xf32, #tpu.memory_space<hbm>> -> memref<32000xf32, #tpu.memory_space<hbm>>
    tpu.wait_dma2 semaphore(%arg10 : memref<!tpu.dma_semaphore, #tpu.memory_space<semaphore_mem>>) src(%arg6 : memref<32000xf32, #tpu.memory_space<vmem>>) dst(%dma_wait3A_394 : memref<32000xf32, #tpu.memory_space<hbm>>)
    %slice3A_395 = vector.extract_strided_slice %get3A_4 {offsets = [2], sizes = [1], strides = [1]} : vector<16xi32> to vector<1xi32>
    %squeeze3A_396 = vector.extract %slice3A_395[0] : i32 from vector<1xi32>
    %dma_start3A_397 = arith.constant 64000 : i32
    %dma_start3A_398 = tpu.memref_slice %arg2[%squeeze3A_396, %dma_start3A_397] : memref<128x160000xf32, #tpu.memory_space<hbm>> -> memref<1x32000xf32, #tpu.memory_space<hbm>>
    %dma_start3A_399 = tpu.memref_squeeze %dma_start3A_398 : memref<1x32000xf32, #tpu.memory_space<hbm>> -> memref<32000xf32, #tpu.memory_space<hbm>>
    %dma_start3A_400 = arith.constant 64000 : i32
    %dma_start3A_401 = tpu.memref_slice %arg2[%squeeze3A_396, %dma_start3A_400] : memref<128x160000xf32, #tpu.memory_space<hbm>> -> memref<1x32000xf32, #tpu.memory_space<hbm>>
    %dma_start3A_402 = tpu.memref_squeeze %dma_start3A_401 : memref<1x32000xf32, #tpu.memory_space<hbm>> -> memref<32000xf32, #tpu.memory_space<hbm>>
    tpu.enqueue_dma source(%dma_start3A_402 : memref<32000xf32, #tpu.memory_space<hbm>>) target(%arg6 : memref<32000xf32, #tpu.memory_space<vmem>>) target_semaphore(%arg9 : memref<!tpu.dma_semaphore, #tpu.memory_space<semaphore_mem>>)
    %slice3A_403 = vector.extract_strided_slice %get3A_4 {offsets = [2], sizes = [1], strides = [1]} : vector<16xi32> to vector<1xi32>
    %squeeze3A_404 = vector.extract %slice3A_403[0] : i32 from vector<1xi32>
    %dma_wait3A_405 = arith.constant 32000 : i32
    %dma_wait3A_406 = tpu.memref_slice %arg2[%squeeze3A_404, %dma_wait3A_405] : memref<128x160000xf32, #tpu.memory_space<hbm>> -> memref<1x32000xf32, #tpu.memory_space<hbm>>
    %dma_wait3A_407 = tpu.memref_squeeze %dma_wait3A_406 : memref<1x32000xf32, #tpu.memory_space<hbm>> -> memref<32000xf32, #tpu.memory_space<hbm>>
    %dma_wait3A_408 = arith.constant 32000 : i32
    %dma_wait3A_409 = tpu.memref_slice %arg2[%squeeze3A_404, %dma_wait3A_408] : memref<128x160000xf32, #tpu.memory_space<hbm>> -> memref<1x32000xf32, #tpu.memory_space<hbm>>
    %dma_wait3A_410 = tpu.memref_squeeze %dma_wait3A_409 : memref<1x32000xf32, #tpu.memory_space<hbm>> -> memref<32000xf32, #tpu.memory_space<hbm>>
    tpu.wait_dma2 semaphore(%arg9 : memref<!tpu.dma_semaphore, #tpu.memory_space<semaphore_mem>>) src(%dma_wait3A_410 : memref<32000xf32, #tpu.memory_space<hbm>>) dst(%arg8 : memref<32000xf32, #tpu.memory_space<vmem>>)
    %mul3A_411 = arith.constant 4 : i32
    %mul3A_412 = arith.muli %add3A, %mul3A_411 : i32
    %add3A_413 = arith.constant 2 : i32
    %add3A_414 = arith.addi %mul3A_412, %add3A_413 : i32
    %dma_start3A_415 = arith.constant 32000 : i32
    %dma_start3A_416 = tpu.memref_slice %arg4[%add3A_414, %dma_start3A_415] : memref<128x160000xf32, #tpu.memory_space<hbm>> -> memref<1x32000xf32, #tpu.memory_space<hbm>>
    %dma_start3A_417 = tpu.memref_squeeze %dma_start3A_416 : memref<1x32000xf32, #tpu.memory_space<hbm>> -> memref<32000xf32, #tpu.memory_space<hbm>>
    %dma_start3A_418 = arith.constant 32000 : i32
    %dma_start3A_419 = tpu.memref_slice %arg4[%add3A_414, %dma_start3A_418] : memref<128x160000xf32, #tpu.memory_space<hbm>> -> memref<1x32000xf32, #tpu.memory_space<hbm>>
    %dma_start3A_420 = tpu.memref_squeeze %dma_start3A_419 : memref<1x32000xf32, #tpu.memory_space<hbm>> -> memref<32000xf32, #tpu.memory_space<hbm>>
    tpu.enqueue_dma source(%arg8 : memref<32000xf32, #tpu.memory_space<vmem>>) target(%dma_start3A_420 : memref<32000xf32, #tpu.memory_space<hbm>>) target_semaphore(%arg10 : memref<!tpu.dma_semaphore, #tpu.memory_space<semaphore_mem>>)
    %mul3A_421 = arith.constant 4 : i32
    %mul3A_422 = arith.muli %add3A, %mul3A_421 : i32
    %add3A_423 = arith.constant 2 : i32
    %add3A_424 = arith.addi %mul3A_422, %add3A_423 : i32
    %dma_wait3A_425 = arith.constant 0 : i32
    %dma_wait3A_426 = tpu.memref_slice %arg4[%add3A_424, %dma_wait3A_425] : memref<128x160000xf32, #tpu.memory_space<hbm>> -> memref<1x32000xf32, #tpu.memory_space<hbm>>
    %dma_wait3A_427 = tpu.memref_squeeze %dma_wait3A_426 : memref<1x32000xf32, #tpu.memory_space<hbm>> -> memref<32000xf32, #tpu.memory_space<hbm>>
    %dma_wait3A_428 = arith.constant 0 : i32
    %dma_wait3A_429 = tpu.memref_slice %arg4[%add3A_424, %dma_wait3A_428] : memref<128x160000xf32, #tpu.memory_space<hbm>> -> memref<1x32000xf32, #tpu.memory_space<hbm>>
    %dma_wait3A_430 = tpu.memref_squeeze %dma_wait3A_429 : memref<1x32000xf32, #tpu.memory_space<hbm>> -> memref<32000xf32, #tpu.memory_space<hbm>>
    tpu.wait_dma2 semaphore(%arg10 : memref<!tpu.dma_semaphore, #tpu.memory_space<semaphore_mem>>) src(%arg7 : memref<32000xf32, #tpu.memory_space<vmem>>) dst(%dma_wait3A_430 : memref<32000xf32, #tpu.memory_space<hbm>>)
    %slice3A_431 = vector.extract_strided_slice %get3A_4 {offsets = [2], sizes = [1], strides = [1]} : vector<16xi32> to vector<1xi32>
    %squeeze3A_432 = vector.extract %slice3A_431[0] : i32 from vector<1xi32>
    %dma_start3A_433 = arith.constant 96000 : i32
    %dma_start3A_434 = tpu.memref_slice %arg2[%squeeze3A_432, %dma_start3A_433] : memref<128x160000xf32, #tpu.memory_space<hbm>> -> memref<1x32000xf32, #tpu.memory_space<hbm>>
    %dma_start3A_435 = tpu.memref_squeeze %dma_start3A_434 : memref<1x32000xf32, #tpu.memory_space<hbm>> -> memref<32000xf32, #tpu.memory_space<hbm>>
    %dma_start3A_436 = arith.constant 96000 : i32
    %dma_start3A_437 = tpu.memref_slice %arg2[%squeeze3A_432, %dma_start3A_436] : memref<128x160000xf32, #tpu.memory_space<hbm>> -> memref<1x32000xf32, #tpu.memory_space<hbm>>
    %dma_start3A_438 = tpu.memref_squeeze %dma_start3A_437 : memref<1x32000xf32, #tpu.memory_space<hbm>> -> memref<32000xf32, #tpu.memory_space<hbm>>
    tpu.enqueue_dma source(%dma_start3A_438 : memref<32000xf32, #tpu.memory_space<hbm>>) target(%arg7 : memref<32000xf32, #tpu.memory_space<vmem>>) target_semaphore(%arg9 : memref<!tpu.dma_semaphore, #tpu.memory_space<semaphore_mem>>)
    %slice3A_439 = vector.extract_strided_slice %get3A_4 {offsets = [2], sizes = [1], strides = [1]} : vector<16xi32> to vector<1xi32>
    %squeeze3A_440 = vector.extract %slice3A_439[0] : i32 from vector<1xi32>
    %dma_wait3A_441 = arith.constant 64000 : i32
    %dma_wait3A_442 = tpu.memref_slice %arg2[%squeeze3A_440, %dma_wait3A_441] : memref<128x160000xf32, #tpu.memory_space<hbm>> -> memref<1x32000xf32, #tpu.memory_space<hbm>>
    %dma_wait3A_443 = tpu.memref_squeeze %dma_wait3A_442 : memref<1x32000xf32, #tpu.memory_space<hbm>> -> memref<32000xf32, #tpu.memory_space<hbm>>
    %dma_wait3A_444 = arith.constant 64000 : i32
    %dma_wait3A_445 = tpu.memref_slice %arg2[%squeeze3A_440, %dma_wait3A_444] : memref<128x160000xf32, #tpu.memory_space<hbm>> -> memref<1x32000xf32, #tpu.memory_space<hbm>>
    %dma_wait3A_446 = tpu.memref_squeeze %dma_wait3A_445 : memref<1x32000xf32, #tpu.memory_space<hbm>> -> memref<32000xf32, #tpu.memory_space<hbm>>
    tpu.wait_dma2 semaphore(%arg9 : memref<!tpu.dma_semaphore, #tpu.memory_space<semaphore_mem>>) src(%dma_wait3A_446 : memref<32000xf32, #tpu.memory_space<hbm>>) dst(%arg6 : memref<32000xf32, #tpu.memory_space<vmem>>)
    %mul3A_447 = arith.constant 4 : i32
    %mul3A_448 = arith.muli %add3A, %mul3A_447 : i32
    %add3A_449 = arith.constant 2 : i32
    %add3A_450 = arith.addi %mul3A_448, %add3A_449 : i32
    %dma_start3A_451 = arith.constant 64000 : i32
    %dma_start3A_452 = tpu.memref_slice %arg4[%add3A_450, %dma_start3A_451] : memref<128x160000xf32, #tpu.memory_space<hbm>> -> memref<1x32000xf32, #tpu.memory_space<hbm>>
    %dma_start3A_453 = tpu.memref_squeeze %dma_start3A_452 : memref<1x32000xf32, #tpu.memory_space<hbm>> -> memref<32000xf32, #tpu.memory_space<hbm>>
    %dma_start3A_454 = arith.constant 64000 : i32
    %dma_start3A_455 = tpu.memref_slice %arg4[%add3A_450, %dma_start3A_454] : memref<128x160000xf32, #tpu.memory_space<hbm>> -> memref<1x32000xf32, #tpu.memory_space<hbm>>
    %dma_start3A_456 = tpu.memref_squeeze %dma_start3A_455 : memref<1x32000xf32, #tpu.memory_space<hbm>> -> memref<32000xf32, #tpu.memory_space<hbm>>
    tpu.enqueue_dma source(%arg6 : memref<32000xf32, #tpu.memory_space<vmem>>) target(%dma_start3A_456 : memref<32000xf32, #tpu.memory_space<hbm>>) target_semaphore(%arg10 : memref<!tpu.dma_semaphore, #tpu.memory_space<semaphore_mem>>)
    %mul3A_457 = arith.constant 4 : i32
    %mul3A_458 = arith.muli %add3A, %mul3A_457 : i32
    %add3A_459 = arith.constant 2 : i32
    %add3A_460 = arith.addi %mul3A_458, %add3A_459 : i32
    %dma_wait3A_461 = arith.constant 32000 : i32
    %dma_wait3A_462 = tpu.memref_slice %arg4[%add3A_460, %dma_wait3A_461] : memref<128x160000xf32, #tpu.memory_space<hbm>> -> memref<1x32000xf32, #tpu.memory_space<hbm>>
    %dma_wait3A_463 = tpu.memref_squeeze %dma_wait3A_462 : memref<1x32000xf32, #tpu.memory_space<hbm>> -> memref<32000xf32, #tpu.memory_space<hbm>>
    %dma_wait3A_464 = arith.constant 32000 : i32
    %dma_wait3A_465 = tpu.memref_slice %arg4[%add3A_460, %dma_wait3A_464] : memref<128x160000xf32, #tpu.memory_space<hbm>> -> memref<1x32000xf32, #tpu.memory_space<hbm>>
    %dma_wait3A_466 = tpu.memref_squeeze %dma_wait3A_465 : memref<1x32000xf32, #tpu.memory_space<hbm>> -> memref<32000xf32, #tpu.memory_space<hbm>>
    tpu.wait_dma2 semaphore(%arg10 : memref<!tpu.dma_semaphore, #tpu.memory_space<semaphore_mem>>) src(%arg8 : memref<32000xf32, #tpu.memory_space<vmem>>) dst(%dma_wait3A_466 : memref<32000xf32, #tpu.memory_space<hbm>>)
    %slice3A_467 = vector.extract_strided_slice %get3A_4 {offsets = [2], sizes = [1], strides = [1]} : vector<16xi32> to vector<1xi32>
    %squeeze3A_468 = vector.extract %slice3A_467[0] : i32 from vector<1xi32>
    %dma_start3A_469 = arith.constant 128000 : i32
    %dma_start3A_470 = tpu.memref_slice %arg2[%squeeze3A_468, %dma_start3A_469] : memref<128x160000xf32, #tpu.memory_space<hbm>> -> memref<1x32000xf32, #tpu.memory_space<hbm>>
    %dma_start3A_471 = tpu.memref_squeeze %dma_start3A_470 : memref<1x32000xf32, #tpu.memory_space<hbm>> -> memref<32000xf32, #tpu.memory_space<hbm>>
    %dma_start3A_472 = arith.constant 128000 : i32
    %dma_start3A_473 = tpu.memref_slice %arg2[%squeeze3A_468, %dma_start3A_472] : memref<128x160000xf32, #tpu.memory_space<hbm>> -> memref<1x32000xf32, #tpu.memory_space<hbm>>
    %dma_start3A_474 = tpu.memref_squeeze %dma_start3A_473 : memref<1x32000xf32, #tpu.memory_space<hbm>> -> memref<32000xf32, #tpu.memory_space<hbm>>
    tpu.enqueue_dma source(%dma_start3A_474 : memref<32000xf32, #tpu.memory_space<hbm>>) target(%arg8 : memref<32000xf32, #tpu.memory_space<vmem>>) target_semaphore(%arg9 : memref<!tpu.dma_semaphore, #tpu.memory_space<semaphore_mem>>)
    %slice3A_475 = vector.extract_strided_slice %get3A_4 {offsets = [2], sizes = [1], strides = [1]} : vector<16xi32> to vector<1xi32>
    %squeeze3A_476 = vector.extract %slice3A_475[0] : i32 from vector<1xi32>
    %dma_wait3A_477 = arith.constant 96000 : i32
    %dma_wait3A_478 = tpu.memref_slice %arg2[%squeeze3A_476, %dma_wait3A_477] : memref<128x160000xf32, #tpu.memory_space<hbm>> -> memref<1x32000xf32, #tpu.memory_space<hbm>>
    %dma_wait3A_479 = tpu.memref_squeeze %dma_wait3A_478 : memref<1x32000xf32, #tpu.memory_space<hbm>> -> memref<32000xf32, #tpu.memory_space<hbm>>
    %dma_wait3A_480 = arith.constant 96000 : i32
    %dma_wait3A_481 = tpu.memref_slice %arg2[%squeeze3A_476, %dma_wait3A_480] : memref<128x160000xf32, #tpu.memory_space<hbm>> -> memref<1x32000xf32, #tpu.memory_space<hbm>>
    %dma_wait3A_482 = tpu.memref_squeeze %dma_wait3A_481 : memref<1x32000xf32, #tpu.memory_space<hbm>> -> memref<32000xf32, #tpu.memory_space<hbm>>
    tpu.wait_dma2 semaphore(%arg9 : memref<!tpu.dma_semaphore, #tpu.memory_space<semaphore_mem>>) src(%dma_wait3A_482 : memref<32000xf32, #tpu.memory_space<hbm>>) dst(%arg7 : memref<32000xf32, #tpu.memory_space<vmem>>)
    %mul3A_483 = arith.constant 4 : i32
    %mul3A_484 = arith.muli %add3A, %mul3A_483 : i32
    %add3A_485 = arith.constant 2 : i32
    %add3A_486 = arith.addi %mul3A_484, %add3A_485 : i32
    %dma_start3A_487 = arith.constant 96000 : i32
    %dma_start3A_488 = tpu.memref_slice %arg4[%add3A_486, %dma_start3A_487] : memref<128x160000xf32, #tpu.memory_space<hbm>> -> memref<1x32000xf32, #tpu.memory_space<hbm>>
    %dma_start3A_489 = tpu.memref_squeeze %dma_start3A_488 : memref<1x32000xf32, #tpu.memory_space<hbm>> -> memref<32000xf32, #tpu.memory_space<hbm>>
    %dma_start3A_490 = arith.constant 96000 : i32
    %dma_start3A_491 = tpu.memref_slice %arg4[%add3A_486, %dma_start3A_490] : memref<128x160000xf32, #tpu.memory_space<hbm>> -> memref<1x32000xf32, #tpu.memory_space<hbm>>
    %dma_start3A_492 = tpu.memref_squeeze %dma_start3A_491 : memref<1x32000xf32, #tpu.memory_space<hbm>> -> memref<32000xf32, #tpu.memory_space<hbm>>
    tpu.enqueue_dma source(%arg7 : memref<32000xf32, #tpu.memory_space<vmem>>) target(%dma_start3A_492 : memref<32000xf32, #tpu.memory_space<hbm>>) target_semaphore(%arg10 : memref<!tpu.dma_semaphore, #tpu.memory_space<semaphore_mem>>)
    %mul3A_493 = arith.constant 4 : i32
    %mul3A_494 = arith.muli %add3A, %mul3A_493 : i32
    %add3A_495 = arith.constant 2 : i32
    %add3A_496 = arith.addi %mul3A_494, %add3A_495 : i32
    %dma_wait3A_497 = arith.constant 64000 : i32
    %dma_wait3A_498 = tpu.memref_slice %arg4[%add3A_496, %dma_wait3A_497] : memref<128x160000xf32, #tpu.memory_space<hbm>> -> memref<1x32000xf32, #tpu.memory_space<hbm>>
    %dma_wait3A_499 = tpu.memref_squeeze %dma_wait3A_498 : memref<1x32000xf32, #tpu.memory_space<hbm>> -> memref<32000xf32, #tpu.memory_space<hbm>>
    %dma_wait3A_500 = arith.constant 64000 : i32
    %dma_wait3A_501 = tpu.memref_slice %arg4[%add3A_496, %dma_wait3A_500] : memref<128x160000xf32, #tpu.memory_space<hbm>> -> memref<1x32000xf32, #tpu.memory_space<hbm>>
    %dma_wait3A_502 = tpu.memref_squeeze %dma_wait3A_501 : memref<1x32000xf32, #tpu.memory_space<hbm>> -> memref<32000xf32, #tpu.memory_space<hbm>>
    tpu.wait_dma2 semaphore(%arg10 : memref<!tpu.dma_semaphore, #tpu.memory_space<semaphore_mem>>) src(%arg6 : memref<32000xf32, #tpu.memory_space<vmem>>) dst(%dma_wait3A_502 : memref<32000xf32, #tpu.memory_space<hbm>>)
    %slice3A_503 = vector.extract_strided_slice %get3A_4 {offsets = [3], sizes = [1], strides = [1]} : vector<16xi32> to vector<1xi32>
    %squeeze3A_504 = vector.extract %slice3A_503[0] : i32 from vector<1xi32>
    %dma_start3A_505 = arith.constant 0 : i32
    %dma_start3A_506 = tpu.memref_slice %arg2[%squeeze3A_504, %dma_start3A_505] : memref<128x160000xf32, #tpu.memory_space<hbm>> -> memref<1x32000xf32, #tpu.memory_space<hbm>>
    %dma_start3A_507 = tpu.memref_squeeze %dma_start3A_506 : memref<1x32000xf32, #tpu.memory_space<hbm>> -> memref<32000xf32, #tpu.memory_space<hbm>>
    %dma_start3A_508 = arith.constant 0 : i32
    %dma_start3A_509 = tpu.memref_slice %arg2[%squeeze3A_504, %dma_start3A_508] : memref<128x160000xf32, #tpu.memory_space<hbm>> -> memref<1x32000xf32, #tpu.memory_space<hbm>>
    %dma_start3A_510 = tpu.memref_squeeze %dma_start3A_509 : memref<1x32000xf32, #tpu.memory_space<hbm>> -> memref<32000xf32, #tpu.memory_space<hbm>>
    tpu.enqueue_dma source(%dma_start3A_510 : memref<32000xf32, #tpu.memory_space<hbm>>) target(%arg6 : memref<32000xf32, #tpu.memory_space<vmem>>) target_semaphore(%arg9 : memref<!tpu.dma_semaphore, #tpu.memory_space<semaphore_mem>>)
    %slice3A_511 = vector.extract_strided_slice %get3A_4 {offsets = [2], sizes = [1], strides = [1]} : vector<16xi32> to vector<1xi32>
    %squeeze3A_512 = vector.extract %slice3A_511[0] : i32 from vector<1xi32>
    %dma_wait3A_513 = arith.constant 128000 : i32
    %dma_wait3A_514 = tpu.memref_slice %arg2[%squeeze3A_512, %dma_wait3A_513] : memref<128x160000xf32, #tpu.memory_space<hbm>> -> memref<1x32000xf32, #tpu.memory_space<hbm>>
    %dma_wait3A_515 = tpu.memref_squeeze %dma_wait3A_514 : memref<1x32000xf32, #tpu.memory_space<hbm>> -> memref<32000xf32, #tpu.memory_space<hbm>>
    %dma_wait3A_516 = arith.constant 128000 : i32
    %dma_wait3A_517 = tpu.memref_slice %arg2[%squeeze3A_512, %dma_wait3A_516] : memref<128x160000xf32, #tpu.memory_space<hbm>> -> memref<1x32000xf32, #tpu.memory_space<hbm>>
    %dma_wait3A_518 = tpu.memref_squeeze %dma_wait3A_517 : memref<1x32000xf32, #tpu.memory_space<hbm>> -> memref<32000xf32, #tpu.memory_space<hbm>>
    tpu.wait_dma2 semaphore(%arg9 : memref<!tpu.dma_semaphore, #tpu.memory_space<semaphore_mem>>) src(%dma_wait3A_518 : memref<32000xf32, #tpu.memory_space<hbm>>) dst(%arg8 : memref<32000xf32, #tpu.memory_space<vmem>>)
    %mul3A_519 = arith.constant 4 : i32
    %mul3A_520 = arith.muli %add3A, %mul3A_519 : i32
    %add3A_521 = arith.constant 2 : i32
    %add3A_522 = arith.addi %mul3A_520, %add3A_521 : i32
    %dma_start3A_523 = arith.constant 128000 : i32
    %dma_start3A_524 = tpu.memref_slice %arg4[%add3A_522, %dma_start3A_523] : memref<128x160000xf32, #tpu.memory_space<hbm>> -> memref<1x32000xf32, #tpu.memory_space<hbm>>
    %dma_start3A_525 = tpu.memref_squeeze %dma_start3A_524 : memref<1x32000xf32, #tpu.memory_space<hbm>> -> memref<32000xf32, #tpu.memory_space<hbm>>
    %dma_start3A_526 = arith.constant 128000 : i32
    %dma_start3A_527 = tpu.memref_slice %arg4[%add3A_522, %dma_start3A_526] : memref<128x160000xf32, #tpu.memory_space<hbm>> -> memref<1x32000xf32, #tpu.memory_space<hbm>>
    %dma_start3A_528 = tpu.memref_squeeze %dma_start3A_527 : memref<1x32000xf32, #tpu.memory_space<hbm>> -> memref<32000xf32, #tpu.memory_space<hbm>>
    tpu.enqueue_dma source(%arg8 : memref<32000xf32, #tpu.memory_space<vmem>>) target(%dma_start3A_528 : memref<32000xf32, #tpu.memory_space<hbm>>) target_semaphore(%arg10 : memref<!tpu.dma_semaphore, #tpu.memory_space<semaphore_mem>>)
    %mul3A_529 = arith.constant 4 : i32
    %mul3A_530 = arith.muli %add3A, %mul3A_529 : i32
    %add3A_531 = arith.constant 2 : i32
    %add3A_532 = arith.addi %mul3A_530, %add3A_531 : i32
    %dma_wait3A_533 = arith.constant 96000 : i32
    %dma_wait3A_534 = tpu.memref_slice %arg4[%add3A_532, %dma_wait3A_533] : memref<128x160000xf32, #tpu.memory_space<hbm>> -> memref<1x32000xf32, #tpu.memory_space<hbm>>
    %dma_wait3A_535 = tpu.memref_squeeze %dma_wait3A_534 : memref<1x32000xf32, #tpu.memory_space<hbm>> -> memref<32000xf32, #tpu.memory_space<hbm>>
    %dma_wait3A_536 = arith.constant 96000 : i32
    %dma_wait3A_537 = tpu.memref_slice %arg4[%add3A_532, %dma_wait3A_536] : memref<128x160000xf32, #tpu.memory_space<hbm>> -> memref<1x32000xf32, #tpu.memory_space<hbm>>
    %dma_wait3A_538 = tpu.memref_squeeze %dma_wait3A_537 : memref<1x32000xf32, #tpu.memory_space<hbm>> -> memref<32000xf32, #tpu.memory_space<hbm>>
    tpu.wait_dma2 semaphore(%arg10 : memref<!tpu.dma_semaphore, #tpu.memory_space<semaphore_mem>>) src(%arg7 : memref<32000xf32, #tpu.memory_space<vmem>>) dst(%dma_wait3A_538 : memref<32000xf32, #tpu.memory_space<hbm>>)
    %slice3A_539 = vector.extract_strided_slice %get3A_4 {offsets = [3], sizes = [1], strides = [1]} : vector<16xi32> to vector<1xi32>
    %squeeze3A_540 = vector.extract %slice3A_539[0] : i32 from vector<1xi32>
    %dma_start3A_541 = arith.constant 32000 : i32
    %dma_start3A_542 = tpu.memref_slice %arg2[%squeeze3A_540, %dma_start3A_541] : memref<128x160000xf32, #tpu.memory_space<hbm>> -> memref<1x32000xf32, #tpu.memory_space<hbm>>
    %dma_start3A_543 = tpu.memref_squeeze %dma_start3A_542 : memref<1x32000xf32, #tpu.memory_space<hbm>> -> memref<32000xf32, #tpu.memory_space<hbm>>
    %dma_start3A_544 = arith.constant 32000 : i32
    %dma_start3A_545 = tpu.memref_slice %arg2[%squeeze3A_540, %dma_start3A_544] : memref<128x160000xf32, #tpu.memory_space<hbm>> -> memref<1x32000xf32, #tpu.memory_space<hbm>>
    %dma_start3A_546 = tpu.memref_squeeze %dma_start3A_545 : memref<1x32000xf32, #tpu.memory_space<hbm>> -> memref<32000xf32, #tpu.memory_space<hbm>>
    tpu.enqueue_dma source(%dma_start3A_546 : memref<32000xf32, #tpu.memory_space<hbm>>) target(%arg7 : memref<32000xf32, #tpu.memory_space<vmem>>) target_semaphore(%arg9 : memref<!tpu.dma_semaphore, #tpu.memory_space<semaphore_mem>>)
    %slice3A_547 = vector.extract_strided_slice %get3A_4 {offsets = [3], sizes = [1], strides = [1]} : vector<16xi32> to vector<1xi32>
    %squeeze3A_548 = vector.extract %slice3A_547[0] : i32 from vector<1xi32>
    %dma_wait3A_549 = arith.constant 0 : i32
    %dma_wait3A_550 = tpu.memref_slice %arg2[%squeeze3A_548, %dma_wait3A_549] : memref<128x160000xf32, #tpu.memory_space<hbm>> -> memref<1x32000xf32, #tpu.memory_space<hbm>>
    %dma_wait3A_551 = tpu.memref_squeeze %dma_wait3A_550 : memref<1x32000xf32, #tpu.memory_space<hbm>> -> memref<32000xf32, #tpu.memory_space<hbm>>
    %dma_wait3A_552 = arith.constant 0 : i32
    %dma_wait3A_553 = tpu.memref_slice %arg2[%squeeze3A_548, %dma_wait3A_552] : memref<128x160000xf32, #tpu.memory_space<hbm>> -> memref<1x32000xf32, #tpu.memory_space<hbm>>
    %dma_wait3A_554 = tpu.memref_squeeze %dma_wait3A_553 : memref<1x32000xf32, #tpu.memory_space<hbm>> -> memref<32000xf32, #tpu.memory_space<hbm>>
    tpu.wait_dma2 semaphore(%arg9 : memref<!tpu.dma_semaphore, #tpu.memory_space<semaphore_mem>>) src(%dma_wait3A_554 : memref<32000xf32, #tpu.memory_space<hbm>>) dst(%arg6 : memref<32000xf32, #tpu.memory_space<vmem>>)
    %mul3A_555 = arith.constant 4 : i32
    %mul3A_556 = arith.muli %add3A, %mul3A_555 : i32
    %add3A_557 = arith.constant 3 : i32
    %add3A_558 = arith.addi %mul3A_556, %add3A_557 : i32
    %dma_start3A_559 = arith.constant 0 : i32
    %dma_start3A_560 = tpu.memref_slice %arg4[%add3A_558, %dma_start3A_559] : memref<128x160000xf32, #tpu.memory_space<hbm>> -> memref<1x32000xf32, #tpu.memory_space<hbm>>
    %dma_start3A_561 = tpu.memref_squeeze %dma_start3A_560 : memref<1x32000xf32, #tpu.memory_space<hbm>> -> memref<32000xf32, #tpu.memory_space<hbm>>
    %dma_start3A_562 = arith.constant 0 : i32
    %dma_start3A_563 = tpu.memref_slice %arg4[%add3A_558, %dma_start3A_562] : memref<128x160000xf32, #tpu.memory_space<hbm>> -> memref<1x32000xf32, #tpu.memory_space<hbm>>
    %dma_start3A_564 = tpu.memref_squeeze %dma_start3A_563 : memref<1x32000xf32, #tpu.memory_space<hbm>> -> memref<32000xf32, #tpu.memory_space<hbm>>
    tpu.enqueue_dma source(%arg6 : memref<32000xf32, #tpu.memory_space<vmem>>) target(%dma_start3A_564 : memref<32000xf32, #tpu.memory_space<hbm>>) target_semaphore(%arg10 : memref<!tpu.dma_semaphore, #tpu.memory_space<semaphore_mem>>)
    %mul3A_565 = arith.constant 4 : i32
    %mul3A_566 = arith.muli %add3A, %mul3A_565 : i32
    %add3A_567 = arith.constant 2 : i32
    %add3A_568 = arith.addi %mul3A_566, %add3A_567 : i32
    %dma_wait3A_569 = arith.constant 128000 : i32
    %dma_wait3A_570 = tpu.memref_slice %arg4[%add3A_568, %dma_wait3A_569] : memref<128x160000xf32, #tpu.memory_space<hbm>> -> memref<1x32000xf32, #tpu.memory_space<hbm>>
    %dma_wait3A_571 = tpu.memref_squeeze %dma_wait3A_570 : memref<1x32000xf32, #tpu.memory_space<hbm>> -> memref<32000xf32, #tpu.memory_space<hbm>>
    %dma_wait3A_572 = arith.constant 128000 : i32
    %dma_wait3A_573 = tpu.memref_slice %arg4[%add3A_568, %dma_wait3A_572] : memref<128x160000xf32, #tpu.memory_space<hbm>> -> memref<1x32000xf32, #tpu.memory_space<hbm>>
    %dma_wait3A_574 = tpu.memref_squeeze %dma_wait3A_573 : memref<1x32000xf32, #tpu.memory_space<hbm>> -> memref<32000xf32, #tpu.memory_space<hbm>>
    tpu.wait_dma2 semaphore(%arg10 : memref<!tpu.dma_semaphore, #tpu.memory_space<semaphore_mem>>) src(%arg8 : memref<32000xf32, #tpu.memory_space<vmem>>) dst(%dma_wait3A_574 : memref<32000xf32, #tpu.memory_space<hbm>>)
    %slice3A_575 = vector.extract_strided_slice %get3A_4 {offsets = [3], sizes = [1], strides = [1]} : vector<16xi32> to vector<1xi32>
    %squeeze3A_576 = vector.extract %slice3A_575[0] : i32 from vector<1xi32>
    %dma_start3A_577 = arith.constant 64000 : i32
    %dma_start3A_578 = tpu.memref_slice %arg2[%squeeze3A_576, %dma_start3A_577] : memref<128x160000xf32, #tpu.memory_space<hbm>> -> memref<1x32000xf32, #tpu.memory_space<hbm>>
    %dma_start3A_579 = tpu.memref_squeeze %dma_start3A_578 : memref<1x32000xf32, #tpu.memory_space<hbm>> -> memref<32000xf32, #tpu.memory_space<hbm>>
    %dma_start3A_580 = arith.constant 64000 : i32
    %dma_start3A_581 = tpu.memref_slice %arg2[%squeeze3A_576, %dma_start3A_580] : memref<128x160000xf32, #tpu.memory_space<hbm>> -> memref<1x32000xf32, #tpu.memory_space<hbm>>
    %dma_start3A_582 = tpu.memref_squeeze %dma_start3A_581 : memref<1x32000xf32, #tpu.memory_space<hbm>> -> memref<32000xf32, #tpu.memory_space<hbm>>
    tpu.enqueue_dma source(%dma_start3A_582 : memref<32000xf32, #tpu.memory_space<hbm>>) target(%arg8 : memref<32000xf32, #tpu.memory_space<vmem>>) target_semaphore(%arg9 : memref<!tpu.dma_semaphore, #tpu.memory_space<semaphore_mem>>)
    %slice3A_583 = vector.extract_strided_slice %get3A_4 {offsets = [3], sizes = [1], strides = [1]} : vector<16xi32> to vector<1xi32>
    %squeeze3A_584 = vector.extract %slice3A_583[0] : i32 from vector<1xi32>
    %dma_wait3A_585 = arith.constant 32000 : i32
    %dma_wait3A_586 = tpu.memref_slice %arg2[%squeeze3A_584, %dma_wait3A_585] : memref<128x160000xf32, #tpu.memory_space<hbm>> -> memref<1x32000xf32, #tpu.memory_space<hbm>>
    %dma_wait3A_587 = tpu.memref_squeeze %dma_wait3A_586 : memref<1x32000xf32, #tpu.memory_space<hbm>> -> memref<32000xf32, #tpu.memory_space<hbm>>
    %dma_wait3A_588 = arith.constant 32000 : i32
    %dma_wait3A_589 = tpu.memref_slice %arg2[%squeeze3A_584, %dma_wait3A_588] : memref<128x160000xf32, #tpu.memory_space<hbm>> -> memref<1x32000xf32, #tpu.memory_space<hbm>>
    %dma_wait3A_590 = tpu.memref_squeeze %dma_wait3A_589 : memref<1x32000xf32, #tpu.memory_space<hbm>> -> memref<32000xf32, #tpu.memory_space<hbm>>
    tpu.wait_dma2 semaphore(%arg9 : memref<!tpu.dma_semaphore, #tpu.memory_space<semaphore_mem>>) src(%dma_wait3A_590 : memref<32000xf32, #tpu.memory_space<hbm>>) dst(%arg7 : memref<32000xf32, #tpu.memory_space<vmem>>)
    %mul3A_591 = arith.constant 4 : i32
    %mul3A_592 = arith.muli %add3A, %mul3A_591 : i32
    %add3A_593 = arith.constant 3 : i32
    %add3A_594 = arith.addi %mul3A_592, %add3A_593 : i32
    %dma_start3A_595 = arith.constant 32000 : i32
    %dma_start3A_596 = tpu.memref_slice %arg4[%add3A_594, %dma_start3A_595] : memref<128x160000xf32, #tpu.memory_space<hbm>> -> memref<1x32000xf32, #tpu.memory_space<hbm>>
    %dma_start3A_597 = tpu.memref_squeeze %dma_start3A_596 : memref<1x32000xf32, #tpu.memory_space<hbm>> -> memref<32000xf32, #tpu.memory_space<hbm>>
    %dma_start3A_598 = arith.constant 32000 : i32
    %dma_start3A_599 = tpu.memref_slice %arg4[%add3A_594, %dma_start3A_598] : memref<128x160000xf32, #tpu.memory_space<hbm>> -> memref<1x32000xf32, #tpu.memory_space<hbm>>
    %dma_start3A_600 = tpu.memref_squeeze %dma_start3A_599 : memref<1x32000xf32, #tpu.memory_space<hbm>> -> memref<32000xf32, #tpu.memory_space<hbm>>
    tpu.enqueue_dma source(%arg7 : memref<32000xf32, #tpu.memory_space<vmem>>) target(%dma_start3A_600 : memref<32000xf32, #tpu.memory_space<hbm>>) target_semaphore(%arg10 : memref<!tpu.dma_semaphore, #tpu.memory_space<semaphore_mem>>)
    %mul3A_601 = arith.constant 4 : i32
    %mul3A_602 = arith.muli %add3A, %mul3A_601 : i32
    %add3A_603 = arith.constant 3 : i32
    %add3A_604 = arith.addi %mul3A_602, %add3A_603 : i32
    %dma_wait3A_605 = arith.constant 0 : i32
    %dma_wait3A_606 = tpu.memref_slice %arg4[%add3A_604, %dma_wait3A_605] : memref<128x160000xf32, #tpu.memory_space<hbm>> -> memref<1x32000xf32, #tpu.memory_space<hbm>>
    %dma_wait3A_607 = tpu.memref_squeeze %dma_wait3A_606 : memref<1x32000xf32, #tpu.memory_space<hbm>> -> memref<32000xf32, #tpu.memory_space<hbm>>
    %dma_wait3A_608 = arith.constant 0 : i32
    %dma_wait3A_609 = tpu.memref_slice %arg4[%add3A_604, %dma_wait3A_608] : memref<128x160000xf32, #tpu.memory_space<hbm>> -> memref<1x32000xf32, #tpu.memory_space<hbm>>
    %dma_wait3A_610 = tpu.memref_squeeze %dma_wait3A_609 : memref<1x32000xf32, #tpu.memory_space<hbm>> -> memref<32000xf32, #tpu.memory_space<hbm>>
    tpu.wait_dma2 semaphore(%arg10 : memref<!tpu.dma_semaphore, #tpu.memory_space<semaphore_mem>>) src(%arg6 : memref<32000xf32, #tpu.memory_space<vmem>>) dst(%dma_wait3A_610 : memref<32000xf32, #tpu.memory_space<hbm>>)
    %slice3A_611 = vector.extract_strided_slice %get3A_4 {offsets = [3], sizes = [1], strides = [1]} : vector<16xi32> to vector<1xi32>
    %squeeze3A_612 = vector.extract %slice3A_611[0] : i32 from vector<1xi32>
    %dma_start3A_613 = arith.constant 96000 : i32
    %dma_start3A_614 = tpu.memref_slice %arg2[%squeeze3A_612, %dma_start3A_613] : memref<128x160000xf32, #tpu.memory_space<hbm>> -> memref<1x32000xf32, #tpu.memory_space<hbm>>
    %dma_start3A_615 = tpu.memref_squeeze %dma_start3A_614 : memref<1x32000xf32, #tpu.memory_space<hbm>> -> memref<32000xf32, #tpu.memory_space<hbm>>
    %dma_start3A_616 = arith.constant 96000 : i32
    %dma_start3A_617 = tpu.memref_slice %arg2[%squeeze3A_612, %dma_start3A_616] : memref<128x160000xf32, #tpu.memory_space<hbm>> -> memref<1x32000xf32, #tpu.memory_space<hbm>>
    %dma_start3A_618 = tpu.memref_squeeze %dma_start3A_617 : memref<1x32000xf32, #tpu.memory_space<hbm>> -> memref<32000xf32, #tpu.memory_space<hbm>>
    tpu.enqueue_dma source(%dma_start3A_618 : memref<32000xf32, #tpu.memory_space<hbm>>) target(%arg6 : memref<32000xf32, #tpu.memory_space<vmem>>) target_semaphore(%arg9 : memref<!tpu.dma_semaphore, #tpu.memory_space<semaphore_mem>>)
    %slice3A_619 = vector.extract_strided_slice %get3A_4 {offsets = [3], sizes = [1], strides = [1]} : vector<16xi32> to vector<1xi32>
    %squeeze3A_620 = vector.extract %slice3A_619[0] : i32 from vector<1xi32>
    %dma_wait3A_621 = arith.constant 64000 : i32
    %dma_wait3A_622 = tpu.memref_slice %arg2[%squeeze3A_620, %dma_wait3A_621] : memref<128x160000xf32, #tpu.memory_space<hbm>> -> memref<1x32000xf32, #tpu.memory_space<hbm>>
    %dma_wait3A_623 = tpu.memref_squeeze %dma_wait3A_622 : memref<1x32000xf32, #tpu.memory_space<hbm>> -> memref<32000xf32, #tpu.memory_space<hbm>>
    %dma_wait3A_624 = arith.constant 64000 : i32
    %dma_wait3A_625 = tpu.memref_slice %arg2[%squeeze3A_620, %dma_wait3A_624] : memref<128x160000xf32, #tpu.memory_space<hbm>> -> memref<1x32000xf32, #tpu.memory_space<hbm>>
    %dma_wait3A_626 = tpu.memref_squeeze %dma_wait3A_625 : memref<1x32000xf32, #tpu.memory_space<hbm>> -> memref<32000xf32, #tpu.memory_space<hbm>>
    tpu.wait_dma2 semaphore(%arg9 : memref<!tpu.dma_semaphore, #tpu.memory_space<semaphore_mem>>) src(%dma_wait3A_626 : memref<32000xf32, #tpu.memory_space<hbm>>) dst(%arg8 : memref<32000xf32, #tpu.memory_space<vmem>>)
    %mul3A_627 = arith.constant 4 : i32
    %mul3A_628 = arith.muli %add3A, %mul3A_627 : i32
    %add3A_629 = arith.constant 3 : i32
    %add3A_630 = arith.addi %mul3A_628, %add3A_629 : i32
    %dma_start3A_631 = arith.constant 64000 : i32
    %dma_start3A_632 = tpu.memref_slice %arg4[%add3A_630, %dma_start3A_631] : memref<128x160000xf32, #tpu.memory_space<hbm>> -> memref<1x32000xf32, #tpu.memory_space<hbm>>
    %dma_start3A_633 = tpu.memref_squeeze %dma_start3A_632 : memref<1x32000xf32, #tpu.memory_space<hbm>> -> memref<32000xf32, #tpu.memory_space<hbm>>
    %dma_start3A_634 = arith.constant 64000 : i32
    %dma_start3A_635 = tpu.memref_slice %arg4[%add3A_630, %dma_start3A_634] : memref<128x160000xf32, #tpu.memory_space<hbm>> -> memref<1x32000xf32, #tpu.memory_space<hbm>>
    %dma_start3A_636 = tpu.memref_squeeze %dma_start3A_635 : memref<1x32000xf32, #tpu.memory_space<hbm>> -> memref<32000xf32, #tpu.memory_space<hbm>>
    tpu.enqueue_dma source(%arg8 : memref<32000xf32, #tpu.memory_space<vmem>>) target(%dma_start3A_636 : memref<32000xf32, #tpu.memory_space<hbm>>) target_semaphore(%arg10 : memref<!tpu.dma_semaphore, #tpu.memory_space<semaphore_mem>>)
    %mul3A_637 = arith.constant 4 : i32
    %mul3A_638 = arith.muli %add3A, %mul3A_637 : i32
    %add3A_639 = arith.constant 3 : i32
    %add3A_640 = arith.addi %mul3A_638, %add3A_639 : i32
    %dma_wait3A_641 = arith.constant 32000 : i32
    %dma_wait3A_642 = tpu.memref_slice %arg4[%add3A_640, %dma_wait3A_641] : memref<128x160000xf32, #tpu.memory_space<hbm>> -> memref<1x32000xf32, #tpu.memory_space<hbm>>
    %dma_wait3A_643 = tpu.memref_squeeze %dma_wait3A_642 : memref<1x32000xf32, #tpu.memory_space<hbm>> -> memref<32000xf32, #tpu.memory_space<hbm>>
    %dma_wait3A_644 = arith.constant 32000 : i32
    %dma_wait3A_645 = tpu.memref_slice %arg4[%add3A_640, %dma_wait3A_644] : memref<128x160000xf32, #tpu.memory_space<hbm>> -> memref<1x32000xf32, #tpu.memory_space<hbm>>
    %dma_wait3A_646 = tpu.memref_squeeze %dma_wait3A_645 : memref<1x32000xf32, #tpu.memory_space<hbm>> -> memref<32000xf32, #tpu.memory_space<hbm>>
    tpu.wait_dma2 semaphore(%arg10 : memref<!tpu.dma_semaphore, #tpu.memory_space<semaphore_mem>>) src(%arg7 : memref<32000xf32, #tpu.memory_space<vmem>>) dst(%dma_wait3A_646 : memref<32000xf32, #tpu.memory_space<hbm>>)
    %slice3A_647 = vector.extract_strided_slice %get3A_4 {offsets = [3], sizes = [1], strides = [1]} : vector<16xi32> to vector<1xi32>
    %squeeze3A_648 = vector.extract %slice3A_647[0] : i32 from vector<1xi32>
    %dma_start3A_649 = arith.constant 128000 : i32
    %dma_start3A_650 = tpu.memref_slice %arg2[%squeeze3A_648, %dma_start3A_649] : memref<128x160000xf32, #tpu.memory_space<hbm>> -> memref<1x32000xf32, #tpu.memory_space<hbm>>
    %dma_start3A_651 = tpu.memref_squeeze %dma_start3A_650 : memref<1x32000xf32, #tpu.memory_space<hbm>> -> memref<32000xf32, #tpu.memory_space<hbm>>
    %dma_start3A_652 = arith.constant 128000 : i32
    %dma_start3A_653 = tpu.memref_slice %arg2[%squeeze3A_648, %dma_start3A_652] : memref<128x160000xf32, #tpu.memory_space<hbm>> -> memref<1x32000xf32, #tpu.memory_space<hbm>>
    %dma_start3A_654 = tpu.memref_squeeze %dma_start3A_653 : memref<1x32000xf32, #tpu.memory_space<hbm>> -> memref<32000xf32, #tpu.memory_space<hbm>>
    tpu.enqueue_dma source(%dma_start3A_654 : memref<32000xf32, #tpu.memory_space<hbm>>) target(%arg7 : memref<32000xf32, #tpu.memory_space<vmem>>) target_semaphore(%arg9 : memref<!tpu.dma_semaphore, #tpu.memory_space<semaphore_mem>>)
    %slice3A_655 = vector.extract_strided_slice %get3A_4 {offsets = [3], sizes = [1], strides = [1]} : vector<16xi32> to vector<1xi32>
    %squeeze3A_656 = vector.extract %slice3A_655[0] : i32 from vector<1xi32>
    %dma_wait3A_657 = arith.constant 96000 : i32
    %dma_wait3A_658 = tpu.memref_slice %arg2[%squeeze3A_656, %dma_wait3A_657] : memref<128x160000xf32, #tpu.memory_space<hbm>> -> memref<1x32000xf32, #tpu.memory_space<hbm>>
    %dma_wait3A_659 = tpu.memref_squeeze %dma_wait3A_658 : memref<1x32000xf32, #tpu.memory_space<hbm>> -> memref<32000xf32, #tpu.memory_space<hbm>>
    %dma_wait3A_660 = arith.constant 96000 : i32
    %dma_wait3A_661 = tpu.memref_slice %arg2[%squeeze3A_656, %dma_wait3A_660] : memref<128x160000xf32, #tpu.memory_space<hbm>> -> memref<1x32000xf32, #tpu.memory_space<hbm>>
    %dma_wait3A_662 = tpu.memref_squeeze %dma_wait3A_661 : memref<1x32000xf32, #tpu.memory_space<hbm>> -> memref<32000xf32, #tpu.memory_space<hbm>>
    tpu.wait_dma2 semaphore(%arg9 : memref<!tpu.dma_semaphore, #tpu.memory_space<semaphore_mem>>) src(%dma_wait3A_662 : memref<32000xf32, #tpu.memory_space<hbm>>) dst(%arg6 : memref<32000xf32, #tpu.memory_space<vmem>>)
    %mul3A_663 = arith.constant 4 : i32
    %mul3A_664 = arith.muli %add3A, %mul3A_663 : i32
    %add3A_665 = arith.constant 3 : i32
    %add3A_666 = arith.addi %mul3A_664, %add3A_665 : i32
    %dma_start3A_667 = arith.constant 96000 : i32
    %dma_start3A_668 = tpu.memref_slice %arg4[%add3A_666, %dma_start3A_667] : memref<128x160000xf32, #tpu.memory_space<hbm>> -> memref<1x32000xf32, #tpu.memory_space<hbm>>
    %dma_start3A_669 = tpu.memref_squeeze %dma_start3A_668 : memref<1x32000xf32, #tpu.memory_space<hbm>> -> memref<32000xf32, #tpu.memory_space<hbm>>
    %dma_start3A_670 = arith.constant 96000 : i32
    %dma_start3A_671 = tpu.memref_slice %arg4[%add3A_666, %dma_start3A_670] : memref<128x160000xf32, #tpu.memory_space<hbm>> -> memref<1x32000xf32, #tpu.memory_space<hbm>>
    %dma_start3A_672 = tpu.memref_squeeze %dma_start3A_671 : memref<1x32000xf32, #tpu.memory_space<hbm>> -> memref<32000xf32, #tpu.memory_space<hbm>>
    tpu.enqueue_dma source(%arg6 : memref<32000xf32, #tpu.memory_space<vmem>>) target(%dma_start3A_672 : memref<32000xf32, #tpu.memory_space<hbm>>) target_semaphore(%arg10 : memref<!tpu.dma_semaphore, #tpu.memory_space<semaphore_mem>>)
    %slice3A_673 = vector.extract_strided_slice %get3A_4 {offsets = [3], sizes = [1], strides = [1]} : vector<16xi32> to vector<1xi32>
    %squeeze3A_674 = vector.extract %slice3A_673[0] : i32 from vector<1xi32>
    %dma_wait3A_675 = arith.constant 128000 : i32
    %dma_wait3A_676 = tpu.memref_slice %arg2[%squeeze3A_674, %dma_wait3A_675] : memref<128x160000xf32, #tpu.memory_space<hbm>> -> memref<1x32000xf32, #tpu.memory_space<hbm>>
    %dma_wait3A_677 = tpu.memref_squeeze %dma_wait3A_676 : memref<1x32000xf32, #tpu.memory_space<hbm>> -> memref<32000xf32, #tpu.memory_space<hbm>>
    %dma_wait3A_678 = arith.constant 128000 : i32
    %dma_wait3A_679 = tpu.memref_slice %arg2[%squeeze3A_674, %dma_wait3A_678] : memref<128x160000xf32, #tpu.memory_space<hbm>> -> memref<1x32000xf32, #tpu.memory_space<hbm>>
    %dma_wait3A_680 = tpu.memref_squeeze %dma_wait3A_679 : memref<1x32000xf32, #tpu.memory_space<hbm>> -> memref<32000xf32, #tpu.memory_space<hbm>>
    tpu.wait_dma2 semaphore(%arg9 : memref<!tpu.dma_semaphore, #tpu.memory_space<semaphore_mem>>) src(%dma_wait3A_680 : memref<32000xf32, #tpu.memory_space<hbm>>) dst(%arg7 : memref<32000xf32, #tpu.memory_space<vmem>>)
    %mul3A_681 = arith.constant 4 : i32
    %mul3A_682 = arith.muli %add3A, %mul3A_681 : i32
    %add3A_683 = arith.constant 3 : i32
    %add3A_684 = arith.addi %mul3A_682, %add3A_683 : i32
    %dma_start3A_685 = arith.constant 128000 : i32
    %dma_start3A_686 = tpu.memref_slice %arg4[%add3A_684, %dma_start3A_685] : memref<128x160000xf32, #tpu.memory_space<hbm>> -> memref<1x32000xf32, #tpu.memory_space<hbm>>
    %dma_start3A_687 = tpu.memref_squeeze %dma_start3A_686 : memref<1x32000xf32, #tpu.memory_space<hbm>> -> memref<32000xf32, #tpu.memory_space<hbm>>
    %dma_start3A_688 = arith.constant 128000 : i32
    %dma_start3A_689 = tpu.memref_slice %arg4[%add3A_684, %dma_start3A_688] : memref<128x160000xf32, #tpu.memory_space<hbm>> -> memref<1x32000xf32, #tpu.memory_space<hbm>>
    %dma_start3A_690 = tpu.memref_squeeze %dma_start3A_689 : memref<1x32000xf32, #tpu.memory_space<hbm>> -> memref<32000xf32, #tpu.memory_space<hbm>>
    tpu.enqueue_dma source(%arg7 : memref<32000xf32, #tpu.memory_space<vmem>>) target(%dma_start3A_690 : memref<32000xf32, #tpu.memory_space<hbm>>) target_semaphore(%arg10 : memref<!tpu.dma_semaphore, #tpu.memory_space<semaphore_mem>>)
    %mul3A_691 = arith.constant 4 : i32
    %mul3A_692 = arith.muli %add3A, %mul3A_691 : i32
    %add3A_693 = arith.constant 3 : i32
    %add3A_694 = arith.addi %mul3A_692, %add3A_693 : i32
    %dma_wait3A_695 = arith.constant 64000 : i32
    %dma_wait3A_696 = tpu.memref_slice %arg4[%add3A_694, %dma_wait3A_695] : memref<128x160000xf32, #tpu.memory_space<hbm>> -> memref<1x32000xf32, #tpu.memory_space<hbm>>
    %dma_wait3A_697 = tpu.memref_squeeze %dma_wait3A_696 : memref<1x32000xf32, #tpu.memory_space<hbm>> -> memref<32000xf32, #tpu.memory_space<hbm>>
    %dma_wait3A_698 = arith.constant 64000 : i32
    %dma_wait3A_699 = tpu.memref_slice %arg4[%add3A_694, %dma_wait3A_698] : memref<128x160000xf32, #tpu.memory_space<hbm>> -> memref<1x32000xf32, #tpu.memory_space<hbm>>
    %dma_wait3A_700 = tpu.memref_squeeze %dma_wait3A_699 : memref<1x32000xf32, #tpu.memory_space<hbm>> -> memref<32000xf32, #tpu.memory_space<hbm>>
    tpu.wait_dma2 semaphore(%arg10 : memref<!tpu.dma_semaphore, #tpu.memory_space<semaphore_mem>>) src(%arg8 : memref<32000xf32, #tpu.memory_space<vmem>>) dst(%dma_wait3A_700 : memref<32000xf32, #tpu.memory_space<hbm>>)
    %mul3A_701 = arith.constant 4 : i32
    %mul3A_702 = arith.muli %add3A, %mul3A_701 : i32
    %add3A_703 = arith.constant 3 : i32
    %add3A_704 = arith.addi %mul3A_702, %add3A_703 : i32
    %dma_wait3A_705 = arith.constant 96000 : i32
    %dma_wait3A_706 = tpu.memref_slice %arg4[%add3A_704, %dma_wait3A_705] : memref<128x160000xf32, #tpu.memory_space<hbm>> -> memref<1x32000xf32, #tpu.memory_space<hbm>>
    %dma_wait3A_707 = tpu.memref_squeeze %dma_wait3A_706 : memref<1x32000xf32, #tpu.memory_space<hbm>> -> memref<32000xf32, #tpu.memory_space<hbm>>
    %dma_wait3A_708 = arith.constant 96000 : i32
    %dma_wait3A_709 = tpu.memref_slice %arg4[%add3A_704, %dma_wait3A_708] : memref<128x160000xf32, #tpu.memory_space<hbm>> -> memref<1x32000xf32, #tpu.memory_space<hbm>>
    %dma_wait3A_710 = tpu.memref_squeeze %dma_wait3A_709 : memref<1x32000xf32, #tpu.memory_space<hbm>> -> memref<32000xf32, #tpu.memory_space<hbm>>
    tpu.wait_dma2 semaphore(%arg10 : memref<!tpu.dma_semaphore, #tpu.memory_space<semaphore_mem>>) src(%arg6 : memref<32000xf32, #tpu.memory_space<vmem>>) dst(%dma_wait3A_710 : memref<32000xf32, #tpu.memory_space<hbm>>)
    %mul3A_711 = arith.constant 4 : i32
    %mul3A_712 = arith.muli %add3A, %mul3A_711 : i32
    %add3A_713 = arith.constant 3 : i32
    %add3A_714 = arith.addi %mul3A_712, %add3A_713 : i32
    %dma_wait3A_715 = arith.constant 128000 : i32
    %dma_wait3A_716 = tpu.memref_slice %arg4[%add3A_714, %dma_wait3A_715] : memref<128x160000xf32, #tpu.memory_space<hbm>> -> memref<1x32000xf32, #tpu.memory_space<hbm>>
    %dma_wait3A_717 = tpu.memref_squeeze %dma_wait3A_716 : memref<1x32000xf32, #tpu.memory_space<hbm>> -> memref<32000xf32, #tpu.memory_space<hbm>>
    %dma_wait3A_718 = arith.constant 128000 : i32
    %dma_wait3A_719 = tpu.memref_slice %arg4[%add3A_714, %dma_wait3A_718] : memref<128x160000xf32, #tpu.memory_space<hbm>> -> memref<1x32000xf32, #tpu.memory_space<hbm>>
    %dma_wait3A_720 = tpu.memref_squeeze %dma_wait3A_719 : memref<1x32000xf32, #tpu.memory_space<hbm>> -> memref<32000xf32, #tpu.memory_space<hbm>>
    tpu.wait_dma2 semaphore(%arg10 : memref<!tpu.dma_semaphore, #tpu.memory_space<semaphore_mem>>) src(%arg7 : memref<32000xf32, #tpu.memory_space<vmem>>) dst(%dma_wait3A_720 : memref<32000xf32, #tpu.memory_space<hbm>>)
    return
  }
}

</mosaic_0001>

<sc_bundles>
// kernel: kernel.3.cloned.1.call-start
scs
__scs_entry_jumppad:
0x0: {  	(pc) =	sbr.rel $0x88, $3  }
0x1: {  	(tag) =	ssettag $0x0;
	lr =	simm.s32 $0x1  }
0x2: {  	[smem:$0x3FA0] =	sst lr;
	_ =	strace $0xD0000000  }
0x3: {  	_ = 	snop  }
0x4: {  	_ = 	snop  }
0x5: {  	_ = 	snop  }
0x6: {  	_ = 	snop  }
0x7: {  	_ = 	snop  }
__scs_overlays_trampoline_lowered:
0x8: {  	[smem:$0x3FAF] =	sst s0  }
0x9: {  	[smem:$0x3FB0] =	sst s1  }
0xa: {  	[smem:$0x3FB1] =	sst s2  }
0xb: {  	[smem:$0x3FB2] =	sst s3  }
0xc: {  	[smem:$0x3FB3] =	sst s4  }
0xd: {  	[smem:$0x3FB4] =	sst s5  }
0xe: {  	[smem:$0x3FB5] =	sst s6  }
0xf: {  	[smem:$0x3FB6] =	sst s7  }
0x10: {  	[smem:$0x3FB7] =	sst s8  }
0x11: {  	[smem:$0x3FB8] =	sst s9;
	s0 =	simm.s32 @!p0 $0x0  }
0x12: {  	s1 =	sld [smem:$0x3F9E];
	s0 =	simm.s32 @p0 $0x1  }
0x13: {  	[smem:$0x3FB9] =	sst s0;
	s0 =	simm.s32 @!p1 $0x0  }
0x14: {  	s2 =	sld [smem:$0x3F9D];
	s0 =	simm.s32 @p1 $0x1  }
0x15: {  	[smem:$0x3FBA] =	sst s0;
	s0 =	simm.s32 @!p2 $0x0  }
0x16: {  	s3 =	sld [smem:$0x3FDB];
	s0 =	simm.s32 @p2 $0x1  }
0x17: {  	s4 =	simm.s32 $0x1BF5;
	[smem:$0x3FBC] =	sst s0  }
0x18: {  	s0 =	sld [smem:$0x3F9F];
	_ =	swait.ge [sflag:s4], $0x0  }
0x19: {  	s7 =	sld [smem:$0x3FA0]  }
0x1a: {  	s8 =	sadd.s32 $0xFFFFE003, lr  }
0x1b: {  	s9 =	sadd.s32 $0xFFFFFEF7, lr;
	s5 =	simm.s32 $0xFFFFFFFF;
	p2 =	slt.u32 s8, $0xFFFFF086  }
0x1c: {  	p1 =	slt.u32 s9, $0xF7A;
	s5 =	simm.s32 @!p2 $0x0  }
0x1d: {  	s5 =	simm.s32 @p1 $0x1;
	p0 =	seq.s32 s7, s2  }
0x1e: {  	s7 =	smul.u32 @!p0 $0xF7A, s2;
	p2 =	seq.s32 @!p0 s5, $0x0  }
0x1f: {  	s9 =	smul.u32 $0xF7A, s1;
	s8 =	simm.s32 @!p0 $0x1BF5;
	p2 =	por !p2, p0  }
0x20: {  	[sflag:s8] =	ssyncset.s32 @!p0 $0xFFFFF086;
	s6 =	sadd.s32 @!p0 s3, s7;
	s7 =	simm.s32 @!p0 $0x108  }
0x21: {  	s3 =	sadd.s32 s3, s9;
	s6 =	sadd.s32 @!p0 $0x88, s6;
	s7 =	simm.s32 @p2 $0x1082  }
0x22: {  	[simem:s7], [sflag:s8] =	dma.local @!p0 [hbm:s6], $0xF7A  }
0x23: {  	s9 =	sor.u32 $0xD0000000, s2;
	s6 =	simm.s32 $0x108;
	_ =	swait.ge @!p0 [sflag:s8], $0x0  }
0x24: {  	s3 =	sadd.s32 $0x88, s3;
	s6 =	simm.s32 @!p1 $0x1082;
	[sflag:s4] =	ssyncset.s32 $0xFFFFF086  }
0x25: {  	[simem:s6], [sflag:s4] =	dma.local [hbm:s3], $0xF7A  }
0x26: {  	[smem:$0x3FA0] =	sst s1;
	(tag) =	ssettag s2;
	_ =	strace s9  }
0x27: {  	s1 =	sld [smem:$0x3FB0]  }
0x28: {  	s2 =	sld [smem:$0x3FB1]  }
0x29: {  	s4 =	sld [smem:$0x3FB3]  }
0x2a: {  	p0 =	seq.s32 s5, $0x0;
	s5 =	sld [smem:$0x3FB4]  }
0x2b: {  	s6 =	sld [smem:$0x3FB5]  }
0x2c: {  	s7 =	sld [smem:$0x3FB6]  }
0x2d: {  	s3 =	simm.s32 $0x108;
	s8 =	sld [smem:$0x3FB7]  }
0x2e: {  	s3 =	simm.s32 @!p0 $0x1082;
	s9 =	sld [smem:$0x3FB8]  }
0x2f: {  	lr =	sadd.s32 s0, s3;
	s0 =	sld [smem:$0x3FAF]  }
0x30: {  	s3 =	sld [smem:$0x3FB2]  }
0x31: {  	[smem:$0x3FBB] =	sst s10  }
0x32: {  	s10 =	sld [smem:$0x3FB9];
	_ =	sdelay $0x3  }
0x33: {  	p0 =	seq.s32 s10, $0x1;
	s10 =	sld [smem:$0x3FBB];
	_ =	sdelay $0x3  }
0x34: {  	[smem:$0x3FBB] =	sst s10  }
0x35: {  	s10 =	sld [smem:$0x3FBA];
	_ =	sdelay $0x3  }
0x36: {  	p1 =	seq.s32 s10, $0x1;
	s10 =	sld [smem:$0x3FBB];
	_ =	sdelay $0x3  }
0x37: {  	[smem:$0x3FBB] =	sst s10  }
0x38: {  	s10 =	sld [smem:$0x3FBC]  }
0x39: {  	_ = 	snop;
	(pc) =	sbr.ind lr, $3  }
0x3a: {  	_ = 	snop  }
0x3b: {  	_ = 	snop  }
0x3c: {  	p2 =	seq.s32 s10, $0x1;
	s10 =	sld [smem:$0x3FBB]  }
0x3d: {  	_ =	shalt  }
0x3e: {  	_ =	shalt  }
0x3f: {  	_ =	shalt  }
0x40: {  	_ =	shalt  }
0x41: {  	_ =	shalt  }
0x42: {  	_ =	shalt  }
0x43: {  	_ =	shalt  }
0x44: {  	_ =	shalt  }
0x45: {  	_ =	shalt  }
0x46: {  	_ =	shalt  }
0x47: {  	_ =	shalt  }
0x48: {  	_ =	shalt  }
0x49: {  	_ =	shalt  }
0x4a: {  	_ =	shalt  }
0x4b: {  	_ =	shalt  }
0x4c: {  	_ =	shalt  }
0x4d: {  	_ =	shalt  }
0x4e: {  	_ =	shalt  }
0x4f: {  	_ =	shalt  }
0x50: {  	_ =	shalt  }
0x51: {  	_ =	shalt  }
0x52: {  	_ =	shalt  }
0x53: {  	_ =	shalt  }
0x54: {  	_ =	shalt  }
0x55: {  	_ =	shalt  }
0x56: {  	_ =	shalt  }
0x57: {  	_ =	shalt  }
0x58: {  	_ =	shalt  }
0x59: {  	_ =	shalt  }
0x5a: {  	_ =	shalt  }
0x5b: {  	_ =	shalt  }
0x5c: {  	_ =	shalt  }
0x5d: {  	_ =	shalt  }
0x5e: {  	_ =	shalt  }
0x5f: {  	_ =	shalt  }
0x60: {  	_ =	shalt  }
0x61: {  	_ =	shalt  }
0x62: {  	_ =	shalt  }
0x63: {  	_ =	shalt  }
0x64: {  	_ =	shalt  }
0x65: {  	_ =	shalt  }
0x66: {  	_ =	shalt  }
0x67: {  	_ =	shalt  }
0x68: {  	_ =	shalt  }
0x69: {  	_ =	shalt  }
0x6a: {  	_ =	shalt  }
0x6b: {  	_ =	shalt  }
0x6c: {  	_ =	shalt  }
0x6d: {  	_ =	shalt  }
0x6e: {  	_ =	shalt  }
0x6f: {  	_ =	shalt  }
0x70: {  	_ =	shalt  }
0x71: {  	_ =	shalt  }
0x72: {  	_ =	shalt  }
0x73: {  	_ =	shalt  }
0x74: {  	_ =	shalt  }
0x75: {  	_ =	shalt  }
0x76: {  	_ =	shalt  }
0x77: {  	_ =	shalt  }
0x78: {  	_ =	shalt  }
0x79: {  	_ =	shalt  }
0x7a: {  	_ =	shalt  }
0x7b: {  	_ =	shalt  }
0x7c: {  	_ =	shalt  }
0x7d: {  	_ =	shalt  }
0x7e: {  	_ =	shalt  }
0x7f: {  	_ =	shalt  }
0x80: {  	_ =	shalt  }
0x81: {  	_ =	shalt  }
0x82: {  	_ =	shalt  }
0x83: {  	_ =	shalt  }
0x84: {  	_ =	shalt  }
0x85: {  	_ =	shalt  }
0x86: {  	_ =	shalt  }
0x87: {  	_ =	shalt  }
.Lfunc_end0:
.L_simem_size_0:
called_computation.2_lowered:
.L_overlay_start_0:
0x88: {  	s2 =	sld [smem:$0x3FD9]  }
0x89: {  	s3 =	sld [smem:$0x3FFE];
	_ =	sdelay $0x1  }
0x8a: {  	s1 =	srdreg.scid  }
0x8b: {  	s0 =	sand.u32 $0x1, s1  }
0x8c: {  	s17 =	sshll.u32 s0, $0xA;
	s2 =	sadd.s32 s3, s2  }
0x8d: {  	s2 =	sadd.s32 s2, s17  }
0x8e: {  	[smem:$0x3FC7] =	sst s2  }
0x8f: {  	_ = 	snop  }
0x90: {  	s2 =	sld [smem:$0x3FD0];
	(tm) =	ssettm $0x1  }
0x91: {  	s18 =	sld [smem:$0x3FFB];
	_ =	sdelay $0x3  }
0x92: {  	_ =	strace s18  }
0x93: {  	s3 =	sld [smem:$0x3FFC];
	_ =	sdelay $0x3  }
0x94: {  	_ =	strace s3  }
0x95: {  	s3 =	sld [smem:$0x3FFD];
	_ =	sdelay $0x3  }
0x96: {  	_ =	strace s3  }
0x97: {  	_ =	strace $0x8FFFFFFF  }
0x98: {  	s19 =	sld [smem:$0x3FDB];
	_ =	sdelay $0x1  }
0x99: {  	s4 =	simm.s32 $_scs_section_size  }
0x9a: {  	s5 =	simm.s32 $_size__tile_overlayer_lowered;
	s6 =	simm.s32 $_tile_overlayer_lowered  }
0x9b: {  	s22 =	simm.s32 $0x1BFF;
	s21 =	sshll.u32 s6, $0x1;
	s3 =	sadd.s32 s4, s19  }
0x9c: {  	s7 =	simm.s32 $0x0;
	s20 =	sshll.u32 s5, $0x1;
	s5 =	sadd.s32 s21, s3  }
0x9d: {  	[timem:s7], [sflag:s22] =	dma.local [hbm:s5], s20  }
0x9e: {  	_ =	swait.ge [sflag:s22], s20  }
0x9f: {  	s4 =	ssub.s32 $0x0, s20;
	[sflag:s22] =	ssyncset.done $0x0  }
0xa0: {  	[sflag:s22] =	ssyncadd.s32 s4;
	_ =	sdelay $0x1  }
0xa1: {  	s23 =	simm.s32 $0x1B8B  }
0xa2: {  	_ =	swait.ge [sflag:s23], $0x1  }
0xa3: {  	[sflag:s23] =	ssyncset.done $0x0  }
0xa4: {  	s25 =	simm.s32 $0x1B8E;
	s24 =	sld [smem:$0x3FFE];
	[sflag:s23] =	ssyncadd.s32 $0xFFFFFFFF  }
0xa5: {  	s26 =	simm.s32 $execute0_lowered;
	[smem:$0x3FD2] =	sst s25  }
0xa6: {  	s5 =	sshll.u32 s26, $0x1;
	_ =	strace $0x80000049;
	[dreg:$0x1] =	wrdreg $0xFFFFFFFF  }
0xa7: {  	s28 =	simm.s32 $_size_execute0_lowered;
	s3 =	sadd.s32 s3, s5;
	[dreg:$0x0] =	wrdreg $0x0  }
0xa8: {  	s5 =	sshll.u32 s28, $0x1;
	[dreg:$0x2] =	wrdreg s3  }
0xa9: {  	[dreg:$0x3] =	wrdreg s5  }
0xaa: {  	[dreg:$0x4] =	wrdreg $0xC0  }
0xab: {  	_ =	task [dreg:s7], $0x5FFFF  }
0xac: {  	[dreg:$0x1] =	wrdreg $0xFFFFFFFF  }
0xad: {  	[dreg:$0x0] =	wrdreg $0x60  }
0xae: {  	[dreg:$0x2] =	wrdreg s2  }
0xaf: {  	[dreg:$0x3] =	wrdreg s24  }
0xb0: {  	[dreg:$0x4] =	wrdreg $0x9  }
0xb1: {  	_ =	task.clear_ibuf [dreg:s7], $0x5FFFF;
	_ =	strace $0x90000049  }
0xb2: {  	s29 =	simm.s32 $0x9;
	_ =	strace $0x8000004B  }
0xb3: {  	_ =	swait.ge [sflag:s29], $0x1  }
0xb4: {  	[sflag:s29] =	ssyncadd.s32 $0xFFFFFFFF  }
0xb5: {  	_ =	strace $0x9000004B  }
0xb6: {  	_ =	sfence  }
0xb7: {  	s30 =	sld [smem:$0x0];
	_ =	sdelay $0x2  }
0xb8: {  	s31 =	sshll.u32 s1, $0xD;
	s1 =	sshrl.u32 s1, $0x2  }
0xb9: {  	s3 =	sand.u32 $0x4000, s31;
	s1 =	sadd.s32 s1, s30  }
0xba: {  	s0 =	sor.u32 s3, s0;
	s1 =	sshll.u32 s1, $0x11  }
0xbb: {  	s0 =	sor.u32 s1, s0  }
0xbc: {  	s0 =	sadd.s32 $0x8F2B, s0  }
0xbd: {  	[sflag:s0] =	ssyncadd.remote.s32 $0x1  }
0xbe: {  	_ =	sfence.sel $0xFFFF  }
0xbf: {  	[dreg:$0x0] =	wrdreg $0xFFFFFFFF;
	(pc) =	sbr.abs _section_cstart, $3  }
0xc0: {  	[dreg:$0x1] =	wrdreg $0xFFFFFFFF  }
0xc1: {  	_ =	task.clear_ibuf [dreg:s7], $0x2FFFF;
	_ =	strace $0x9FFFFFFF  }
0xc2: {  	(tm) =	ssettm $0x7FFFFFFF  }
0xc3: {  	_ =	shalt  }
tec
execute0_lowered:
.L_overlay_start_1:
0x0: {  	(tag) =	ssettag $0x1  }
0x1: {  	s2 =	rddreg [dreg:$0x0]  }
0x2: {  	s4 =	rddreg [dreg:$0x1]  }
0x3: {  	s0 =	rddreg [dreg:$0x2];
	s3 =	simm.s32 $0x0;
	s1 =	srdreg.scid  }
0x4: {  	[smem:$0x7FF] =	sst s3;
	s11 =	sand.u32 $0x1, s1  }
0x5: {  	s1 =	stileid.u32;
	_ =	strace $0x8000004A;
	s5 =	sshll.u32 s11, $0x1  }
0x6: {  	s7 =	sshll.u32 s1, $0x2;
	s6 =	sadd.s32 s5, s4;
	s5 =	smul.u32 $0x138800, s1  }
0x7: {  	s4 =	sadd.s32 $0x1000, s4;
	s6 =	sadd.s32 s7, s6;
	s7 =	sshll.u32 s11, $0x9  }
0x8: {  	s8 =	sadd.s32 $0xE00, s6;
	s9 =	sor.u32 s7, s5;
	s6 =	sadd.s32 $0x3E800, s5  }
0x9: {  	s14 =	sor.u32 $0x80, s7;
	s23 =	sor.u32 $0x100, s7;
	[dreg:$0x3] =	wrdreg s8  }
0xa: {  	s24 =	sshrl.u32 s9, $0x3;
	s25 =	sor.u32 s7, s6;
	s8 =	sadd.s32 $0x7D000, s5  }
0xb: {  	s31 =	sor.u32 s5, s14;
	s16 =	sor.u32 s14, s6;
	s10 =	sadd.s32 s4, s24  }
0xc: {  	s9 =	sshrl.u32 s25, $0x3;
	s26 =	sor.u32 s7, s8;
	s15 =	sshrl.u32 s31, $0x3  }
0xd: {  	s25 =	sor.u32 s5, s23;
	[dreg:$0x4] =	wrdreg s10;
	s9 =	sadd.s32 s4, s9  }
0xe: {  	s10 =	sshrl.u32 s26, $0x3;
	s26 =	sshrl.u32 s25, $0x3;
	[dreg:$0x5] =	wrdreg s9  }
0xf: {  	s9 =	sadd.s32 $0xBB800, s5;
	s12 =	sadd.s32 s4, s10;
	s10 =	sadd.s32 $0xFA000, s5  }
0x10: {  	s13 =	sor.u32 s7, s9;
	[dreg:$0x6] =	wrdreg s12;
	s29 =	sor.u32 s7, s10  }
0x11: {  	s20 =	sor.u32 s14, s9;
	s22 =	sor.u32 s14, s10;
	s7 =	sor.u32 $0x180, s7  }
0x12: {  	s28 =	sshrl.u32 s13, $0x3;
	s13 =	sshrl.u32 s29, $0x3;
	s21 =	sshrl.u32 s20, $0x3  }
0x13: {  	s29 =	sor.u32 s23, s8;
	s5 =	sor.u32 s5, s7;
	s25 =	sor.u32 s7, s10  }
0x14: {  	s12 =	sadd.s32 s4, s28;
	s30 =	sadd.s32 s4, s13;
	s13 =	sshrl.u32 s16, $0x3  }
0x15: {  	s28 =	sor.u32 s23, s6;
	s31 =	sshrl.u32 s29, $0x3;
	[dreg:$0x7] =	wrdreg s12  }
0x16: {  	s5 =	sshrl.u32 s5, $0x3;
	[dreg:$0x8] =	wrdreg s30;
	s12 =	sadd.s32 s4, s15  }
0x17: {  	s6 =	sor.u32 s7, s6;
	s17 =	sadd.s32 s4, s13;
	[dreg:$0x9] =	wrdreg s12  }
0x18: {  	s15 =	sor.u32 s14, s8;
	s5 =	sadd.s32 s4, s5;
	[dreg:$0xa] =	wrdreg s17  }
0x19: {  	s13 =	sshrl.u32 s22, $0x3;
	s12 =	sadd.s32 s4, s21;
	[dreg:$0x13] =	wrdreg s5  }
0x1a: {  	s6 =	sshrl.u32 s6, $0x3;
	s24 =	sadd.s32 s4, s13;
	[dreg:$0xc] =	wrdreg s12  }
0x1b: {  	s18 =	sshrl.u32 s15, $0x3;
	s15 =	sadd.s32 s4, s31;
	[dreg:$0xd] =	wrdreg s24  }
0x1c: {  	s16 =	sor.u32 s23, s9;
	s20 =	sadd.s32 s4, s6;
	[dreg:$0x10] =	wrdreg s15  }
0x1d: {  	s8 =	sor.u32 s7, s8;
	s13 =	sshrl.u32 s28, $0x3;
	[dreg:$0x14] =	wrdreg s20  }
0x1e: {  	s19 =	sadd.s32 s4, s18;
	s12 =	sadd.s32 s4, s26;
	s26 =	rddreg [dreg:$0x3]  }
0x1f: {  	s17 =	sshrl.u32 s16, $0x3;
	s21 =	sshrl.u32 s8, $0x3;
	[dreg:$0xb] =	wrdreg s19  }
0x20: {  	s30 =	sadd.s32 s4, s13;
	s18 =	sor.u32 s23, s10;
	[dreg:$0xe] =	wrdreg s12  }
0x21: {  	s22 =	sadd.s32 s4, s21;
	s23 =	sor.u32 s7, s9;
	[dreg:$0xf] =	wrdreg s30  }
0x22: {  	s12 =	sadd.s32 s4, s17;
	s13 =	sshrl.u32 s18, $0x3;
	[dreg:$0x15] =	wrdreg s22  }
0x23: {  	[tilespmem:s3], [sflag:$0x3] =	stream.linear.gather [hbm4b:s26+s3], $0x10, $0x38;
	[tilespmem:$0x17780] =	vst v63  }
0x24: {  	s24 =	sshrl.u32 s23, $0x3;
	[dreg:$0x11] =	wrdreg s12;
	s19 =	sadd.s32 s4, s13  }
0x25: {  	s6 =	sshrl.u32 s25, $0x3;
	s5 =	sadd.s32 s4, s24;
	[dreg:$0x12] =	wrdreg s19  }
0x26: {  	s4 =	sadd.s32 s4, s6;
	[dreg:$0x16] =	wrdreg s5  }
0x27: {  	s10 =	simm.s32 $0x3;
	[dreg:$0x17] =	wrdreg s4  }
0x28: {  	_ =	swait.ge [sflag:s10], $0x10  }
0x29: {  	[sflag:s10] =	ssyncset.done $0x0  }
0x2a: {  	[sflag:s10] =	ssyncadd.s32 $0xFFFFFFF0  }
0x2b: {  	v0 =	vld [tilespmem:$0x0];
	_ =	sdelay $0x4  }
0x2c: {  	(v2sf) =	vpush v0, $0x1  }
0x2d: {  	(v2sf) =	vpush v0, $0x0;
	_ =	sdelay $0x7  }
0x2e: {  	(v2sf) =	vpush v0, $0x2;
	_ =	sdelay $0x5  }
0x2f: {  	s14 =	spop (v2sf)  }
0x30: {  	s28 =	spop (v2sf)  }
0x31: {  	s29 =	sshrl.u32 s28, $0x3  }
0x32: {  	s4 =	sshll.u32 s28, $0x7;
	s5 =	smul.u32 $0x138800, s29  }
0x33: {  	s30 =	sand.u32 $0x380, s4  }
0x34: {  	s6 =	simm.s32 $0x7D80;
	s31 =	sor.u32 s30, s5  }
0x35: {  	s4 =	simm.s32 $0x400;
	s16 =	sshrl.u32 s31, $0x3;
	s17 =	sadd.s32 $0x3E800, s31  }
0x36: {  	s5 =	simm.s32 $0x80;
	s7 =	sadd.s32 s2, s16;
	s8 =	sshrl.u32 s17, $0x3  }
0x37: {  	(v2sf) =	vpush v0, $0x3;
	[tilespmem:s5], [sflag:$0x1] =	stream.strided.gather [hbm4b:s7+s5], $0x7D00, s4, s5, $0x38;
	[tilespmem:$0x17780] =	vst v63  }
0x38: {  	s13 =	spop (v2sf);
	s7 =	simm.s32 $0x1;
	s8 =	sadd.s32 s2, s8  }
0x39: {  	[tilespmem:s6], [sflag:$0x1] =	stream.strided.gather [hbm4b:s8+s5], $0x7D00, s4, s5, $0x38;
	[tilespmem:$0x17780] =	vst v63  }
0x3a: {  	_ =	swait.ge [sflag:s7], $0x7D00  }
0x3b: {  	s19 =	sadd.s32 $0x7D000, s31;
	[sflag:s7] =	ssyncset.done $0x0  }
0x3c: {  	s20 =	sshrl.u32 s19, $0x3;
	s18 =	rddreg [dreg:$0x4];
	[sflag:s7] =	ssyncadd.s32 $0xFFFF8300  }
0x3d: {  	[hbm4b:s18+s5] =	stream.strided.scatter [tilespmem:s5], [sflag:$0x2], $0x7D00, s4, s5, $0x38;
	[tilespmem:$0x17780] =	vst v63  }
0x3e: {  	s9 =	simm.s32 $0xFA80;
	s21 =	sadd.s32 s2, s20  }
0x3f: {  	[tilespmem:s9], [sflag:$0x1] =	stream.strided.gather [hbm4b:s21+s5], $0x7D00, s4, s5, $0x38;
	[tilespmem:$0x17780] =	vst v63  }
0x40: {  	_ =	swait.ge [sflag:s7], $0x7D00  }
0x41: {  	[sflag:s7] =	ssyncset.done $0x0  }
0x42: {  	s8 =	simm.s32 $0x2;
	s22 =	rddreg [dreg:$0x5];
	[sflag:s7] =	ssyncadd.s32 $0xFFFF8300  }
0x43: {  	[hbm4b:s22+s5] =	stream.strided.scatter [tilespmem:s6], [sflag:$0x2], $0x7D00, s4, s5, $0x38;
	[tilespmem:$0x17780] =	vst v63  }
0x44: {  	s23 =	sadd.s32 $0xBB800, s31;
	_ =	swait.ge [sflag:s8], $0x7D00  }
0x45: {  	s16 =	sshrl.u32 s23, $0x3;
	[sflag:s8] =	ssyncset.done $0x0  }
0x46: {  	s16 =	sadd.s32 s2, s16;
	s12 =	spop (v2sf);
	[sflag:s8] =	ssyncadd.s32 $0xFFFF8300  }
0x47: {  	[tilespmem:s5], [sflag:$0x1] =	stream.strided.gather [hbm4b:s16+s5], $0x7D00, s4, s5, $0x38;
	[tilespmem:$0x17780] =	vst v63  }
0x48: {  	_ =	swait.ge [sflag:s7], $0x7D00  }
0x49: {  	[sflag:s7] =	ssyncset.done $0x0  }
0x4a: {  	s24 =	rddreg [dreg:$0x6];
	[sflag:s7] =	ssyncadd.s32 $0xFFFF8300  }
0x4b: {  	[hbm4b:s24+s5] =	stream.strided.scatter [tilespmem:s9], [sflag:$0x2], $0x7D00, s4, s5, $0x38;
	[tilespmem:$0x17780] =	vst v63  }
0x4c: {  	s15 =	sadd.s32 $0xFA000, s31;
	_ =	swait.ge [sflag:s8], $0x7D00  }
0x4d: {  	s15 =	sshrl.u32 s15, $0x3;
	[sflag:s8] =	ssyncset.done $0x0  }
0x4e: {  	s15 =	sadd.s32 s2, s15;
	[sflag:s8] =	ssyncadd.s32 $0xFFFF8300  }
0x4f: {  	[tilespmem:s6], [sflag:$0x1] =	stream.strided.gather [hbm4b:s15+s5], $0x7D00, s4, s5, $0x38;
	[tilespmem:$0x17780] =	vst v63  }
0x50: {  	s26 =	sshrl.u32 s14, $0x3;
	s14 =	sshll.u32 s14, $0x7;
	_ =	swait.ge [sflag:s7], $0x7D00  }
0x51: {  	s14 =	sand.u32 $0x380, s14;
	[sflag:s7] =	ssyncset.done $0x0  }
0x52: {  	s16 =	smul.u32 $0x138800, s26;
	s25 =	rddreg [dreg:$0x7];
	[sflag:s7] =	ssyncadd.s32 $0xFFFF8300  }
0x53: {  	[hbm4b:s25+s5] =	stream.strided.scatter [tilespmem:s5], [sflag:$0x2], $0x7D00, s4, s5, $0x38;
	[tilespmem:$0x17780] =	vst v63  }
0x54: {  	s14 =	sor.u32 s14, s16;
	_ =	swait.ge [sflag:s8], $0x7D00  }
0x55: {  	s28 =	sshrl.u32 s14, $0x3;
	[sflag:s8] =	ssyncset.done $0x0  }
0x56: {  	s15 =	sadd.s32 s2, s28;
	[sflag:s8] =	ssyncadd.s32 $0xFFFF8300  }
0x57: {  	[tilespmem:s9], [sflag:$0x1] =	stream.strided.gather [hbm4b:s15+s5], $0x7D00, s4, s5, $0x38;
	[tilespmem:$0x17780] =	vst v63  }
0x58: {  	_ =	swait.ge [sflag:s7], $0x7D00  }
0x59: {  	[sflag:s7] =	ssyncset.done $0x0  }
0x5a: {  	s29 =	rddreg [dreg:$0x8];
	[sflag:s7] =	ssyncadd.s32 $0xFFFF8300  }
0x5b: {  	[hbm4b:s29+s5] =	stream.strided.scatter [tilespmem:s6], [sflag:$0x2], $0x7D00, s4, s5, $0x38;
	[tilespmem:$0x17780] =	vst v63  }
0x5c: {  	s30 =	sadd.s32 $0x3E800, s14;
	_ =	swait.ge [sflag:s8], $0x7D00  }
0x5d: {  	s15 =	sshrl.u32 s30, $0x3;
	[sflag:s8] =	ssyncset.done $0x0  }
0x5e: {  	s15 =	sadd.s32 s2, s15;
	[sflag:s8] =	ssyncadd.s32 $0xFFFF8300  }
0x5f: {  	[tilespmem:s5], [sflag:$0x1] =	stream.strided.gather [hbm4b:s15+s5], $0x7D00, s4, s5, $0x38;
	[tilespmem:$0x17780] =	vst v63  }
0x60: {  	_ =	swait.ge [sflag:s7], $0x7D00  }
0x61: {  	[sflag:s7] =	ssyncset.done $0x0  }
0x62: {  	s31 =	rddreg [dreg:$0x9];
	[sflag:s7] =	ssyncadd.s32 $0xFFFF8300  }
0x63: {  	[hbm4b:s31+s5] =	stream.strided.scatter [tilespmem:s9], [sflag:$0x2], $0x7D00, s4, s5, $0x38;
	[tilespmem:$0x17780] =	vst v63  }
0x64: {  	s11 =	ssub.s32 $0x2, s11;
	s16 =	sadd.s32 $0x7D000, s14;
	_ =	swait.ge [sflag:s8], $0x7D00  }
0x65: {  	s19 =	sshrl.u32 s11, $0x1;
	s15 =	sshrl.u32 s16, $0x3;
	[sflag:s8] =	ssyncset.done $0x0  }
0x66: {  	s11 =	ssub.s32 s11, s19;
	s15 =	sadd.s32 s2, s15;
	[sflag:s8] =	ssyncadd.s32 $0xFFFF8300  }
0x67: {  	[tilespmem:s6], [sflag:$0x1] =	stream.strided.gather [hbm4b:s15+s5], $0x7D00, s4, s5, $0x38;
	[tilespmem:$0x17780] =	vst v63  }
0x68: {  	s11 =	smax.u32 s11, $0x1;
	_ =	swait.ge [sflag:s7], $0x7D00  }
0x69: {  	p0 =	sne.s32 s11, $0x1;
	s11 =	sadd.s32 $0xFFFFFFFF, s11;
	[sflag:s7] =	ssyncset.done $0x0  }
0x6a: {  	s21 =	sshrl.u32 s13, $0x3;
	s17 =	rddreg [dreg:$0xa];
	[sflag:s7] =	ssyncadd.s32 $0xFFFF8300  }
0x6b: {  	[hbm4b:s17+s5] =	stream.strided.scatter [tilespmem:s5], [sflag:$0x2], $0x7D00, s4, s5, $0x38;
	[tilespmem:$0x17780] =	vst v63  }
0x6c: {  	s13 =	sshll.u32 s13, $0x7;
	s18 =	sadd.s32 $0xBB800, s14;
	_ =	swait.ge [sflag:s8], $0x7D00  }
0x6d: {  	s13 =	sand.u32 $0x380, s13;
	s15 =	sshrl.u32 s18, $0x3;
	[sflag:s8] =	ssyncset.done $0x0  }
0x6e: {  	s26 =	sshrl.u32 s12, $0x3;
	s15 =	sadd.s32 s2, s15;
	[sflag:s8] =	ssyncadd.s32 $0xFFFF8300  }
0x6f: {  	[tilespmem:s9], [sflag:$0x1] =	stream.strided.gather [hbm4b:s15+s5], $0x7D00, s4, s5, $0x38;
	[tilespmem:$0x17780] =	vst v63  }
0x70: {  	s12 =	sshll.u32 s12, $0x7;
	s14 =	sadd.s32 $0xFA000, s14;
	_ =	swait.ge [sflag:s7], $0x7D00  }
0x71: {  	s12 =	sand.u32 $0x380, s12;
	s14 =	sshrl.u32 s14, $0x3;
	[sflag:s7] =	ssyncset.done $0x0  }
0x72: {  	s15 =	smul.u32 $0x138800, s21;
	s20 =	rddreg [dreg:$0xb];
	[sflag:s7] =	ssyncadd.s32 $0xFFFF8300  }
0x73: {  	[hbm4b:s20+s5] =	stream.strided.scatter [tilespmem:s6], [sflag:$0x2], $0x7D00, s4, s5, $0x38;
	[tilespmem:$0x17780] =	vst v63  }
0x74: {  	s14 =	sadd.s32 s2, s14;
	s13 =	sor.u32 s13, s15;
	_ =	swait.ge [sflag:s8], $0x7D00  }
0x75: {  	s22 =	sadd.s32 $0x3E800, s13;
	s24 =	sshrl.u32 s13, $0x3;
	[sflag:s8] =	ssyncset.done $0x0  }
0x76: {  	s25 =	sadd.s32 $0x7D000, s13;
	s17 =	sadd.s32 $0xBB800, s13;
	[sflag:s8] =	ssyncadd.s32 $0xFFFF8300  }
0x77: {  	[tilespmem:s5], [sflag:$0x1] =	stream.strided.gather [hbm4b:s14+s5], $0x7D00, s4, s5, $0x38;
	[tilespmem:$0x17780] =	vst v63  }
0x78: {  	s13 =	sadd.s32 $0xFA000, s13;
	s20 =	sshrl.u32 s22, $0x3;
	_ =	swait.ge [sflag:s7], $0x7D00  }
0x79: {  	s19 =	sshrl.u32 s25, $0x3;
	s18 =	sshrl.u32 s17, $0x3;
	[sflag:s7] =	ssyncset.done $0x0  }
0x7a: {  	s14 =	smul.u32 $0x138800, s26;
	s23 =	rddreg [dreg:$0xc];
	[sflag:s7] =	ssyncadd.s32 $0xFFFF8300  }
0x7b: {  	[hbm4b:s23+s5] =	stream.strided.scatter [tilespmem:s9], [sflag:$0x2], $0x7D00, s4, s5, $0x38;
	[tilespmem:$0x17780] =	vst v63  }
0x7c: {  	s28 =	sadd.s32 s2, s24;
	s12 =	sor.u32 s12, s14;
	_ =	swait.ge [sflag:s8], $0x7D00  }
0x7d: {  	s17 =	sshrl.u32 s13, $0x3;
	s16 =	sshrl.u32 s12, $0x3;
	[sflag:s8] =	ssyncset.done $0x0  }
0x7e: {  	s14 =	sadd.s32 $0x3E800, s12;
	s30 =	sadd.s32 $0x7D000, s12;
	[sflag:s8] =	ssyncadd.s32 $0xFFFF8300  }
0x7f: {  	[tilespmem:s6], [sflag:$0x1] =	stream.strided.gather [hbm4b:s28+s5], $0x7D00, s4, s5, $0x38;
	[tilespmem:$0x17780] =	vst v63  }
.Ltmp0:
0x80: {  	s31 =	sadd.s32 $0xBB800, s12;
	_ =	swait.ge [sflag:s7], $0x7D00;
	(pc) =	sbr.rel @!p0 .LBB2_2-.Ltmp0, $4  }
0x81: {  	s12 =	sadd.s32 $0xFA000, s12;
	s15 =	sshrl.u32 s14, $0x3;
	[sflag:s7] =	ssyncset.done $0x0  }
0x82: {  	s14 =	sshrl.u32 s30, $0x3;
	s29 =	rddreg [dreg:$0xd];
	[sflag:s7] =	ssyncadd.s32 $0xFFFF8300  }
0x83: {  	[hbm4b:s29+s5] =	stream.strided.scatter [tilespmem:s5], [sflag:$0x2], $0x7D00, s4, s5, $0x38;
	[tilespmem:$0x17780] =	vst v63  }
0x84: {  	s13 =	sshrl.u32 s31, $0x3;
	s12 =	sshrl.u32 s12, $0x3;
	_ =	swait.ge [sflag:s8], $0x7D00  }
.LBB2_1:
0x85: {  	[sflag:s8] =	ssyncset.done $0x0  }
0x86: {  	s20 =	sadd.s32 s2, s20;
	[sflag:s8] =	ssyncadd.s32 $0xFFFF8300  }
0x87: {  	[tilespmem:s9], [sflag:$0x1] =	stream.strided.gather [hbm4b:s20+s5], $0x7D00, s4, s5, $0x38;
	[tilespmem:$0x17780] =	vst v63  }
0x88: {  	_ =	swait.ge [sflag:s7], $0x7D00  }
0x89: {  	[sflag:s7] =	ssyncset.done $0x0  }
0x8a: {  	s28 =	rddreg [dreg:$0xe];
	[sflag:s7] =	ssyncadd.s32 $0xFFFF8300  }
0x8b: {  	[hbm4b:s28+s5] =	stream.strided.scatter [tilespmem:s6], [sflag:$0x2], $0x7D00, s4, s5, $0x38;
	[tilespmem:$0x17780] =	vst v63  }
0x8c: {  	_ =	swait.ge [sflag:s8], $0x7D00  }
0x8d: {  	[sflag:s8] =	ssyncset.done $0x0  }
0x8e: {  	s19 =	sadd.s32 s2, s19;
	[sflag:s8] =	ssyncadd.s32 $0xFFFF8300  }
0x8f: {  	[tilespmem:s5], [sflag:$0x1] =	stream.strided.gather [hbm4b:s19+s5], $0x7D00, s4, s5, $0x38;
	[tilespmem:$0x17780] =	vst v63  }
0x90: {  	_ =	swait.ge [sflag:s7], $0x7D00  }
0x91: {  	[sflag:s7] =	ssyncset.done $0x0  }
0x92: {  	s29 =	rddreg [dreg:$0xf];
	[sflag:s7] =	ssyncadd.s32 $0xFFFF8300  }
0x93: {  	[hbm4b:s29+s5] =	stream.strided.scatter [tilespmem:s9], [sflag:$0x2], $0x7D00, s4, s5, $0x38;
	[tilespmem:$0x17780] =	vst v63  }
0x94: {  	_ =	swait.ge [sflag:s8], $0x7D00  }
0x95: {  	[sflag:s8] =	ssyncset.done $0x0  }
0x96: {  	s18 =	sadd.s32 s2, s18;
	[sflag:s8] =	ssyncadd.s32 $0xFFFF8300  }
0x97: {  	[tilespmem:s6], [sflag:$0x1] =	stream.strided.gather [hbm4b:s18+s5], $0x7D00, s4, s5, $0x38;
	[tilespmem:$0x17780] =	vst v63  }
0x98: {  	_ =	swait.ge [sflag:s7], $0x7D00  }
0x99: {  	[sflag:s7] =	ssyncset.done $0x0  }
0x9a: {  	s30 =	rddreg [dreg:$0x10];
	[sflag:s7] =	ssyncadd.s32 $0xFFFF8300  }
0x9b: {  	[hbm4b:s30+s5] =	stream.strided.scatter [tilespmem:s5], [sflag:$0x2], $0x7D00, s4, s5, $0x38;
	[tilespmem:$0x17780] =	vst v63  }
0x9c: {  	_ =	swait.ge [sflag:s8], $0x7D00  }
0x9d: {  	[sflag:s8] =	ssyncset.done $0x0  }
0x9e: {  	s17 =	sadd.s32 s2, s17;
	[sflag:s8] =	ssyncadd.s32 $0xFFFF8300  }
0x9f: {  	[tilespmem:s9], [sflag:$0x1] =	stream.strided.gather [hbm4b:s17+s5], $0x7D00, s4, s5, $0x38;
	[tilespmem:$0x17780] =	vst v63  }
0xa0: {  	_ =	swait.ge [sflag:s7], $0x7D00  }
0xa1: {  	[sflag:s7] =	ssyncset.done $0x0  }
0xa2: {  	s31 =	rddreg [dreg:$0x11];
	[sflag:s7] =	ssyncadd.s32 $0xFFFF8300  }
0xa3: {  	[hbm4b:s31+s5] =	stream.strided.scatter [tilespmem:s6], [sflag:$0x2], $0x7D00, s4, s5, $0x38;
	[tilespmem:$0x17780] =	vst v63  }
0xa4: {  	_ =	swait.ge [sflag:s8], $0x7D00  }
0xa5: {  	[sflag:s8] =	ssyncset.done $0x0  }
0xa6: {  	s16 =	sadd.s32 s2, s16;
	[sflag:s8] =	ssyncadd.s32 $0xFFFF8300  }
0xa7: {  	[tilespmem:s5], [sflag:$0x1] =	stream.strided.gather [hbm4b:s16+s5], $0x7D00, s4, s5, $0x38;
	[tilespmem:$0x17780] =	vst v63  }
0xa8: {  	_ =	swait.ge [sflag:s7], $0x7D00  }
0xa9: {  	[sflag:s7] =	ssyncset.done $0x0  }
0xaa: {  	s17 =	rddreg [dreg:$0x12];
	[sflag:s7] =	ssyncadd.s32 $0xFFFF8300  }
0xab: {  	[hbm4b:s17+s5] =	stream.strided.scatter [tilespmem:s9], [sflag:$0x2], $0x7D00, s4, s5, $0x38;
	[tilespmem:$0x17780] =	vst v63  }
0xac: {  	_ =	swait.ge [sflag:s8], $0x7D00  }
0xad: {  	[sflag:s8] =	ssyncset.done $0x0  }
0xae: {  	s15 =	sadd.s32 s2, s15;
	[sflag:s8] =	ssyncadd.s32 $0xFFFF8300  }
0xaf: {  	[tilespmem:s6], [sflag:$0x1] =	stream.strided.gather [hbm4b:s15+s5], $0x7D00, s4, s5, $0x38;
	[tilespmem:$0x17780] =	vst v63  }
0xb0: {  	_ =	swait.ge [sflag:s7], $0x7D00  }
0xb1: {  	[sflag:s7] =	ssyncset.done $0x0  }
0xb2: {  	s18 =	rddreg [dreg:$0x13];
	[sflag:s7] =	ssyncadd.s32 $0xFFFF8300  }
0xb3: {  	[hbm4b:s18+s5] =	stream.strided.scatter [tilespmem:s5], [sflag:$0x2], $0x7D00, s4, s5, $0x38;
	[tilespmem:$0x17780] =	vst v63  }
0xb4: {  	_ =	swait.ge [sflag:s8], $0x7D00  }
0xb5: {  	[sflag:s8] =	ssyncset.done $0x0  }
0xb6: {  	s14 =	sadd.s32 s2, s14;
	[sflag:s8] =	ssyncadd.s32 $0xFFFF8300  }
0xb7: {  	[tilespmem:s9], [sflag:$0x1] =	stream.strided.gather [hbm4b:s14+s5], $0x7D00, s4, s5, $0x38;
	[tilespmem:$0x17780] =	vst v63  }
0xb8: {  	_ =	swait.ge [sflag:s7], $0x7D00  }
0xb9: {  	[sflag:s7] =	ssyncset.done $0x0  }
0xba: {  	s19 =	rddreg [dreg:$0x14];
	[sflag:s7] =	ssyncadd.s32 $0xFFFF8300  }
0xbb: {  	[hbm4b:s19+s5] =	stream.strided.scatter [tilespmem:s6], [sflag:$0x2], $0x7D00, s4, s5, $0x38;
	[tilespmem:$0x17780] =	vst v63  }
0xbc: {  	_ =	swait.ge [sflag:s8], $0x7D00  }
0xbd: {  	[sflag:s8] =	ssyncset.done $0x0  }
0xbe: {  	s13 =	sadd.s32 s2, s13;
	[sflag:s8] =	ssyncadd.s32 $0xFFFF8300  }
0xbf: {  	[tilespmem:s5], [sflag:$0x1] =	stream.strided.gather [hbm4b:s13+s5], $0x7D00, s4, s5, $0x38;
	[tilespmem:$0x17780] =	vst v63  }
0xc0: {  	_ =	swait.ge [sflag:s7], $0x7D00  }
0xc1: {  	[sflag:s7] =	ssyncset.done $0x0  }
0xc2: {  	s20 =	rddreg [dreg:$0x15];
	[sflag:s7] =	ssyncadd.s32 $0xFFFF8300  }
0xc3: {  	[hbm4b:s20+s5] =	stream.strided.scatter [tilespmem:s9], [sflag:$0x2], $0x7D00, s4, s5, $0x38;
	[tilespmem:$0x17780] =	vst v63  }
0xc4: {  	_ =	swait.ge [sflag:s8], $0x7D00  }
0xc5: {  	[sflag:s8] =	ssyncset.done $0x0  }
0xc6: {  	s12 =	sadd.s32 s2, s12;
	[sflag:s8] =	ssyncadd.s32 $0xFFFF8300  }
0xc7: {  	[tilespmem:s6], [sflag:$0x1] =	stream.strided.gather [hbm4b:s12+s5], $0x7D00, s4, s5, $0x38;
	[tilespmem:$0x17780] =	vst v63  }
0xc8: {  	_ =	swait.ge [sflag:s7], $0x7D00  }
0xc9: {  	[sflag:s7] =	ssyncset.done $0x0  }
0xca: {  	s21 =	rddreg [dreg:$0x16];
	[sflag:s7] =	ssyncadd.s32 $0xFFFF8300  }
0xcb: {  	[hbm4b:s21+s5] =	stream.strided.scatter [tilespmem:s5], [sflag:$0x2], $0x7D00, s4, s5, $0x38;
	[tilespmem:$0x17780] =	vst v63  }
0xcc: {  	_ =	swait.ge [sflag:s7], $0x7D00  }
0xcd: {  	[sflag:s7] =	ssyncset.done $0x0  }
0xce: {  	s22 =	rddreg [dreg:$0x17];
	[sflag:s7] =	ssyncadd.s32 $0xFFFF8300  }
0xcf: {  	[hbm4b:s22+s5] =	stream.strided.scatter [tilespmem:s6], [sflag:$0x2], $0x7D00, s4, s5, $0x38;
	[tilespmem:$0x17780] =	vst v63  }
0xd0: {  	_ =	swait.ge [sflag:s8], $0x7D00  }
0xd1: {  	[sflag:s8] =	ssyncset.done $0x0  }
0xd2: {  	[sflag:s8] =	ssyncadd.s32 $0xFFFF8300  }
0xd3: {  	_ =	swait.ge [sflag:s8], $0x7D00  }
0xd4: {  	[sflag:s8] =	ssyncset.done $0x0  }
0xd5: {  	[sflag:s8] =	ssyncadd.s32 $0xFFFF8300  }
0xd6: {  	_ =	swait.ge [sflag:s8], $0x7D00  }
0xd7: {  	[sflag:s8] =	ssyncset.done $0x0  }
0xd8: {  	s23 =	rddreg [dreg:$0x3];
	[sflag:s8] =	ssyncadd.s32 $0xFFFF8300  }
0xd9: {  	[tilespmem:s3], [sflag:$0x3] =	stream.linear.gather [hbm4b:s23+s3], $0x10, $0x38;
	[tilespmem:$0x17780] =	vst v63  }
0xda: {  	_ =	swait.ge [sflag:s10], $0x10  }
0xdb: {  	[sflag:s10] =	ssyncset.done $0x0  }
0xdc: {  	[sflag:s10] =	ssyncadd.s32 $0xFFFFFFF0  }
0xdd: {  	v0 =	vld [tilespmem:$0x0];
	_ =	sdelay $0x4  }
0xde: {  	(v2sf) =	vpush v0, $0x1  }
0xdf: {  	(v2sf) =	vpush v0, $0x0;
	_ =	sdelay $0x4  }
0xe0: {  	(v2sf) =	vpush v0, $0x2;
	_ =	sdelay $0x8  }
0xe1: {  	s24 =	spop (v2sf)  }
0xe2: {  	s26 =	spop (v2sf)  }
0xe3: {  	s28 =	sshrl.u32 s26, $0x3  }
0xe4: {  	s14 =	sshll.u32 s26, $0x7;
	s15 =	smul.u32 $0x138800, s28  }
0xe5: {  	s14 =	sand.u32 $0x380, s14  }
0xe6: {  	s25 =	sshrl.u32 s24, $0x3;
	s12 =	sshll.u32 s24, $0x7;
	s14 =	sor.u32 s14, s15  }
0xe7: {  	s29 =	spop (v2sf);
	s19 =	sshrl.u32 s14, $0x3;
	s20 =	sadd.s32 $0x3E800, s14  }
0xe8: {  	s31 =	sand.u32 $0x380, s12;
	s12 =	sadd.s32 s2, s19;
	s18 =	sshrl.u32 s20, $0x3  }
0xe9: {  	(v2sf) =	vpush v0, $0x3;
	[tilespmem:s5], [sflag:$0x1] =	stream.strided.gather [hbm4b:s12+s5], $0x7D00, s4, s5, $0x38;
	[tilespmem:$0x17780] =	vst v63  }
0xea: {  	s13 =	smul.u32 $0x138800, s25;
	s16 =	sshll.u32 s29, $0x7;
	s22 =	sadd.s32 s2, s18  }
0xeb: {  	[tilespmem:s6], [sflag:$0x1] =	stream.strided.gather [hbm4b:s22+s5], $0x7D00, s4, s5, $0x38;
	[tilespmem:$0x17780] =	vst v63  }
0xec: {  	s30 =	sshrl.u32 s29, $0x3;
	s16 =	sand.u32 $0x380, s16;
	_ =	swait.ge [sflag:s7], $0x7D00  }
0xed: {  	s13 =	sor.u32 s31, s13;
	s21 =	sadd.s32 $0x7D000, s14;
	[sflag:s7] =	ssyncset.done $0x0  }
0xee: {  	s19 =	sshrl.u32 s21, $0x3;
	s24 =	rddreg [dreg:$0x4];
	[sflag:s7] =	ssyncadd.s32 $0xFFFF8300  }
0xef: {  	[hbm4b:s24+s5] =	stream.strided.scatter [tilespmem:s5], [sflag:$0x2], $0x7D00, s4, s5, $0x38;
	[tilespmem:$0x17780] =	vst v63  }
0xf0: {  	s17 =	smul.u32 $0x138800, s30;
	s26 =	sshrl.u32 s13, $0x3;
	s31 =	sadd.s32 s2, s19  }
0xf1: {  	[tilespmem:s9], [sflag:$0x1] =	stream.strided.gather [hbm4b:s31+s5], $0x7D00, s4, s5, $0x38;
	[tilespmem:$0x17780] =	vst v63  }
0xf2: {  	s15 =	sadd.s32 $0x3E800, s13;
	s29 =	sadd.s32 $0x7D000, s13;
	_ =	swait.ge [sflag:s7], $0x7D00  }
0xf3: {  	s30 =	sadd.s32 $0xBB800, s13;
	s13 =	sadd.s32 $0xFA000, s13;
	[sflag:s7] =	ssyncset.done $0x0  }
0xf4: {  	s17 =	sor.u32 s16, s17;
	s19 =	rddreg [dreg:$0x5];
	[sflag:s7] =	ssyncadd.s32 $0xFFFF8300  }
0xf5: {  	[hbm4b:s19+s5] =	stream.strided.scatter [tilespmem:s6], [sflag:$0x2], $0x7D00, s4, s5, $0x38;
	[tilespmem:$0x17780] =	vst v63  }
0xf6: {  	s23 =	sadd.s32 $0xBB800, s14;
	s16 =	sadd.s32 $0xBB800, s17;
	_ =	swait.ge [sflag:s8], $0x7D00  }
0xf7: {  	s28 =	sshrl.u32 s23, $0x3;
	s18 =	sshrl.u32 s16, $0x3;
	[sflag:s8] =	ssyncset.done $0x0  }
0xf8: {  	s16 =	sadd.s32 s2, s28;
	s31 =	spop (v2sf);
	[sflag:s8] =	ssyncadd.s32 $0xFFFF8300  }
0xf9: {  	[tilespmem:s5], [sflag:$0x1] =	stream.strided.gather [hbm4b:s16+s5], $0x7D00, s4, s5, $0x38;
	[tilespmem:$0x17780] =	vst v63  }
0xfa: {  	s14 =	sadd.s32 $0xFA000, s14;
	s25 =	sshrl.u32 s15, $0x3;
	_ =	swait.ge [sflag:s7], $0x7D00  }
0xfb: {  	s24 =	sshrl.u32 s29, $0x3;
	s29 =	sadd.s32 $0x7D000, s17;
	[sflag:s7] =	ssyncset.done $0x0  }
0xfc: {  	s19 =	sshrl.u32 s29, $0x3;
	s29 =	rddreg [dreg:$0x6];
	[sflag:s7] =	ssyncadd.s32 $0xFFFF8300  }
0xfd: {  	[hbm4b:s29+s5] =	stream.strided.scatter [tilespmem:s9], [sflag:$0x2], $0x7D00, s4, s5, $0x38;
	[tilespmem:$0x17780] =	vst v63  }
0xfe: {  	s26 =	sadd.s32 s2, s26;
	s23 =	sshrl.u32 s30, $0x3;
	_ =	swait.ge [sflag:s8], $0x7D00  }
0xff: {  	s21 =	sshrl.u32 s17, $0x3;
	s12 =	sshrl.u32 s14, $0x3;
	[sflag:s8] =	ssyncset.done $0x0  }
0x100: {  	s20 =	sadd.s32 $0x3E800, s17;
	s12 =	sadd.s32 s2, s12;
	[sflag:s8] =	ssyncadd.s32 $0xFFFF8300  }
0x101: {  	[tilespmem:s6], [sflag:$0x1] =	stream.strided.gather [hbm4b:s12+s5], $0x7D00, s4, s5, $0x38;
	[tilespmem:$0x17780] =	vst v63  }
0x102: {  	s22 =	sshrl.u32 s13, $0x3;
	s28 =	sshrl.u32 s31, $0x3;
	_ =	swait.ge [sflag:s7], $0x7D00  }
0x103: {  	s14 =	sshll.u32 s31, $0x7;
	s13 =	smul.u32 $0x138800, s28;
	[sflag:s7] =	ssyncset.done $0x0  }
0x104: {  	s14 =	sand.u32 $0x380, s14;
	s29 =	rddreg [dreg:$0x7];
	[sflag:s7] =	ssyncadd.s32 $0xFFFF8300  }
0x105: {  	[hbm4b:s29+s5] =	stream.strided.scatter [tilespmem:s5], [sflag:$0x2], $0x7D00, s4, s5, $0x38;
	[tilespmem:$0x17780] =	vst v63  }
0x106: {  	s30 =	sadd.s32 $0xFA000, s17;
	s13 =	sor.u32 s14, s13;
	_ =	swait.ge [sflag:s8], $0x7D00  }
0x107: {  	s17 =	sshrl.u32 s30, $0x3;
	s16 =	sshrl.u32 s13, $0x3;
	[sflag:s8] =	ssyncset.done $0x0  }
0x108: {  	s14 =	sadd.s32 $0x3E800, s13;
	s30 =	sadd.s32 $0x7D000, s13;
	[sflag:s8] =	ssyncadd.s32 $0xFFFF8300  }
0x109: {  	[tilespmem:s9], [sflag:$0x1] =	stream.strided.gather [hbm4b:s26+s5], $0x7D00, s4, s5, $0x38;
	[tilespmem:$0x17780] =	vst v63  }
0x10a: {  	s31 =	sadd.s32 $0xBB800, s13;
	s15 =	sshrl.u32 s14, $0x3;
	_ =	swait.ge [sflag:s7], $0x7D00  }
0x10b: {  	s14 =	sshrl.u32 s30, $0x3;
	s30 =	sadd.s32 $0xFA000, s13;
	[sflag:s7] =	ssyncset.done $0x0  }
0x10c: {  	s13 =	sshrl.u32 s31, $0x3;
	s31 =	rddreg [dreg:$0x8];
	[sflag:s7] =	ssyncadd.s32 $0xFFFF8300  }
0x10d: {  	[hbm4b:s31+s5] =	stream.strided.scatter [tilespmem:s6], [sflag:$0x2], $0x7D00, s4, s5, $0x38;
	[tilespmem:$0x17780] =	vst v63  }
0x10e: {  	_ =	swait.ge [sflag:s8], $0x7D00  }
0x10f: {  	[sflag:s8] =	ssyncset.done $0x0  }
0x110: {  	s25 =	sadd.s32 s2, s25;
	[sflag:s8] =	ssyncadd.s32 $0xFFFF8300  }
0x111: {  	[tilespmem:s5], [sflag:$0x1] =	stream.strided.gather [hbm4b:s25+s5], $0x7D00, s4, s5, $0x38;
	[tilespmem:$0x17780] =	vst v63  }
0x112: {  	_ =	swait.ge [sflag:s7], $0x7D00  }
0x113: {  	[sflag:s7] =	ssyncset.done $0x0  }
0x114: {  	s26 =	rddreg [dreg:$0x9];
	[sflag:s7] =	ssyncadd.s32 $0xFFFF8300  }
0x115: {  	[hbm4b:s26+s5] =	stream.strided.scatter [tilespmem:s9], [sflag:$0x2], $0x7D00, s4, s5, $0x38;
	[tilespmem:$0x17780] =	vst v63  }
0x116: {  	_ =	swait.ge [sflag:s8], $0x7D00  }
0x117: {  	[sflag:s8] =	ssyncset.done $0x0  }
0x118: {  	s24 =	sadd.s32 s2, s24;
	[sflag:s8] =	ssyncadd.s32 $0xFFFF8300  }
0x119: {  	[tilespmem:s6], [sflag:$0x1] =	stream.strided.gather [hbm4b:s24+s5], $0x7D00, s4, s5, $0x38;
	[tilespmem:$0x17780] =	vst v63  }
0x11a: {  	_ =	swait.ge [sflag:s7], $0x7D00  }
0x11b: {  	[sflag:s7] =	ssyncset.done $0x0  }
0x11c: {  	s28 =	rddreg [dreg:$0xa];
	[sflag:s7] =	ssyncadd.s32 $0xFFFF8300  }
0x11d: {  	[hbm4b:s28+s5] =	stream.strided.scatter [tilespmem:s5], [sflag:$0x2], $0x7D00, s4, s5, $0x38;
	[tilespmem:$0x17780] =	vst v63  }
0x11e: {  	_ =	swait.ge [sflag:s8], $0x7D00  }
0x11f: {  	[sflag:s8] =	ssyncset.done $0x0  }
0x120: {  	s23 =	sadd.s32 s2, s23;
	[sflag:s8] =	ssyncadd.s32 $0xFFFF8300  }
0x121: {  	[tilespmem:s9], [sflag:$0x1] =	stream.strided.gather [hbm4b:s23+s5], $0x7D00, s4, s5, $0x38;
	[tilespmem:$0x17780] =	vst v63  }
0x122: {  	_ =	swait.ge [sflag:s7], $0x7D00  }
0x123: {  	[sflag:s7] =	ssyncset.done $0x0  }
0x124: {  	s29 =	rddreg [dreg:$0xb];
	[sflag:s7] =	ssyncadd.s32 $0xFFFF8300  }
0x125: {  	[hbm4b:s29+s5] =	stream.strided.scatter [tilespmem:s6], [sflag:$0x2], $0x7D00, s4, s5, $0x38;
	[tilespmem:$0x17780] =	vst v63  }
0x126: {  	_ =	swait.ge [sflag:s8], $0x7D00  }
0x127: {  	[sflag:s8] =	ssyncset.done $0x0  }
0x128: {  	s22 =	sadd.s32 s2, s22;
	[sflag:s8] =	ssyncadd.s32 $0xFFFF8300  }
0x129: {  	[tilespmem:s5], [sflag:$0x1] =	stream.strided.gather [hbm4b:s22+s5], $0x7D00, s4, s5, $0x38;
	[tilespmem:$0x17780] =	vst v63  }
0x12a: {  	_ =	swait.ge [sflag:s7], $0x7D00  }
0x12b: {  	[sflag:s7] =	ssyncset.done $0x0  }
0x12c: {  	s12 =	sshrl.u32 s30, $0x3;
	s30 =	rddreg [dreg:$0xc];
	[sflag:s7] =	ssyncadd.s32 $0xFFFF8300  }
0x12d: {  	[hbm4b:s30+s5] =	stream.strided.scatter [tilespmem:s9], [sflag:$0x2], $0x7D00, s4, s5, $0x38;
	[tilespmem:$0x17780] =	vst v63  }
0x12e: {  	_ =	swait.ge [sflag:s8], $0x7D00  }
0x12f: {  	[sflag:s8] =	ssyncset.done $0x0  }
0x130: {  	p0 =	sne.s32 s11, $0x1;
	s21 =	sadd.s32 s2, s21;
	[sflag:s8] =	ssyncadd.s32 $0xFFFF8300  }
0x131: {  	[tilespmem:s6], [sflag:$0x1] =	stream.strided.gather [hbm4b:s21+s5], $0x7D00, s4, s5, $0x38;
	[tilespmem:$0x17780] =	vst v63  }
.Ltmp1:
0x132: {  	_ =	swait.ge [sflag:s7], $0x7D00;
	(pc) =	sbr.rel @p0 .LBB2_1-.Ltmp1, $4  }
0x133: {  	[sflag:s7] =	ssyncset.done $0x0  }
0x134: {  	s31 =	rddreg [dreg:$0xd];
	[sflag:s7] =	ssyncadd.s32 $0xFFFF8300  }
0x135: {  	[hbm4b:s31+s5] =	stream.strided.scatter [tilespmem:s5], [sflag:$0x2], $0x7D00, s4, s5, $0x38;
	[tilespmem:$0x17780] =	vst v63  }
0x136: {  	s11 =	sadd.s32 $0xFFFFFFFF, s11;
	s20 =	sshrl.u32 s20, $0x3;
	_ =	swait.ge [sflag:s8], $0x7D00  }
.LBB2_2:
0x137: {  	[sflag:s8] =	ssyncset.done $0x0  }
0x138: {  	s3 =	sadd.s32 s2, s20;
	[sflag:s8] =	ssyncadd.s32 $0xFFFF8300  }
0x139: {  	[tilespmem:s9], [sflag:$0x1] =	stream.strided.gather [hbm4b:s3+s5], $0x7D00, s4, s5, $0x38;
	[tilespmem:$0x17780] =	vst v63  }
0x13a: {  	_ =	swait.ge [sflag:s7], $0x7D00  }
0x13b: {  	[sflag:s7] =	ssyncset.done $0x0  }
0x13c: {  	s29 =	rddreg [dreg:$0xe];
	[sflag:s7] =	ssyncadd.s32 $0xFFFF8300  }
0x13d: {  	[hbm4b:s29+s5] =	stream.strided.scatter [tilespmem:s6], [sflag:$0x2], $0x7D00, s4, s5, $0x38;
	[tilespmem:$0x17780] =	vst v63  }
0x13e: {  	_ =	swait.ge [sflag:s8], $0x7D00  }
0x13f: {  	[sflag:s8] =	ssyncset.done $0x0  }
0x140: {  	s30 =	sadd.s32 s2, s19;
	[sflag:s8] =	ssyncadd.s32 $0xFFFF8300  }
0x141: {  	[tilespmem:s5], [sflag:$0x1] =	stream.strided.gather [hbm4b:s30+s5], $0x7D00, s4, s5, $0x38;
	[tilespmem:$0x17780] =	vst v63  }
0x142: {  	_ =	swait.ge [sflag:s7], $0x7D00  }
0x143: {  	[sflag:s7] =	ssyncset.done $0x0  }
0x144: {  	s31 =	rddreg [dreg:$0xf];
	[sflag:s7] =	ssyncadd.s32 $0xFFFF8300  }
0x145: {  	[hbm4b:s31+s5] =	stream.strided.scatter [tilespmem:s9], [sflag:$0x2], $0x7D00, s4, s5, $0x38;
	[tilespmem:$0x17780] =	vst v63  }
0x146: {  	_ =	swait.ge [sflag:s8], $0x7D00  }
0x147: {  	[sflag:s8] =	ssyncset.done $0x0  }
0x148: {  	s10 =	sadd.s32 s2, s18;
	[sflag:s8] =	ssyncadd.s32 $0xFFFF8300  }
0x149: {  	[tilespmem:s6], [sflag:$0x1] =	stream.strided.gather [hbm4b:s10+s5], $0x7D00, s4, s5, $0x38;
	[tilespmem:$0x17780] =	vst v63  }
0x14a: {  	_ =	swait.ge [sflag:s7], $0x7D00  }
0x14b: {  	[sflag:s7] =	ssyncset.done $0x0  }
0x14c: {  	s11 =	rddreg [dreg:$0x10];
	[sflag:s7] =	ssyncadd.s32 $0xFFFF8300  }
0x14d: {  	[hbm4b:s11+s5] =	stream.strided.scatter [tilespmem:s5], [sflag:$0x2], $0x7D00, s4, s5, $0x38;
	[tilespmem:$0x17780] =	vst v63  }
0x14e: {  	_ =	swait.ge [sflag:s8], $0x7D00  }
0x14f: {  	[sflag:s8] =	ssyncset.done $0x0  }
0x150: {  	s18 =	sadd.s32 s2, s17;
	[sflag:s8] =	ssyncadd.s32 $0xFFFF8300  }
0x151: {  	[tilespmem:s9], [sflag:$0x1] =	stream.strided.gather [hbm4b:s18+s5], $0x7D00, s4, s5, $0x38;
	[tilespmem:$0x17780] =	vst v63  }
0x152: {  	_ =	swait.ge [sflag:s7], $0x7D00  }
0x153: {  	[sflag:s7] =	ssyncset.done $0x0  }
0x154: {  	s19 =	rddreg [dreg:$0x11];
	[sflag:s7] =	ssyncadd.s32 $0xFFFF8300  }
0x155: {  	[hbm4b:s19+s5] =	stream.strided.scatter [tilespmem:s6], [sflag:$0x2], $0x7D00, s4, s5, $0x38;
	[tilespmem:$0x17780] =	vst v63  }
0x156: {  	_ =	swait.ge [sflag:s8], $0x7D00  }
0x157: {  	[sflag:s8] =	ssyncset.done $0x0  }
0x158: {  	s20 =	sadd.s32 s2, s16;
	[sflag:s8] =	ssyncadd.s32 $0xFFFF8300  }
0x159: {  	[tilespmem:s5], [sflag:$0x1] =	stream.strided.gather [hbm4b:s20+s5], $0x7D00, s4, s5, $0x38;
	[tilespmem:$0x17780] =	vst v63  }
0x15a: {  	_ =	swait.ge [sflag:s7], $0x7D00  }
0x15b: {  	[sflag:s7] =	ssyncset.done $0x0  }
0x15c: {  	s21 =	rddreg [dreg:$0x12];
	[sflag:s7] =	ssyncadd.s32 $0xFFFF8300  }
0x15d: {  	[hbm4b:s21+s5] =	stream.strided.scatter [tilespmem:s9], [sflag:$0x2], $0x7D00, s4, s5, $0x38;
	[tilespmem:$0x17780] =	vst v63  }
0x15e: {  	_ =	swait.ge [sflag:s8], $0x7D00  }
0x15f: {  	[sflag:s8] =	ssyncset.done $0x0  }
0x160: {  	s22 =	sadd.s32 s2, s15;
	[sflag:s8] =	ssyncadd.s32 $0xFFFF8300  }
0x161: {  	[tilespmem:s6], [sflag:$0x1] =	stream.strided.gather [hbm4b:s22+s5], $0x7D00, s4, s5, $0x38;
	[tilespmem:$0x17780] =	vst v63  }
0x162: {  	_ =	swait.ge [sflag:s7], $0x7D00  }
0x163: {  	[sflag:s7] =	ssyncset.done $0x0  }
0x164: {  	s23 =	rddreg [dreg:$0x13];
	[sflag:s7] =	ssyncadd.s32 $0xFFFF8300  }
0x165: {  	[hbm4b:s23+s5] =	stream.strided.scatter [tilespmem:s5], [sflag:$0x2], $0x7D00, s4, s5, $0x38;
	[tilespmem:$0x17780] =	vst v63  }
0x166: {  	_ =	swait.ge [sflag:s8], $0x7D00  }
0x167: {  	[sflag:s8] =	ssyncset.done $0x0  }
0x168: {  	s24 =	sadd.s32 s2, s14;
	[sflag:s8] =	ssyncadd.s32 $0xFFFF8300  }
0x169: {  	[tilespmem:s9], [sflag:$0x1] =	stream.strided.gather [hbm4b:s24+s5], $0x7D00, s4, s5, $0x38;
	[tilespmem:$0x17780] =	vst v63  }
0x16a: {  	_ =	swait.ge [sflag:s7], $0x7D00  }
0x16b: {  	[sflag:s7] =	ssyncset.done $0x0  }
0x16c: {  	s25 =	rddreg [dreg:$0x14];
	[sflag:s7] =	ssyncadd.s32 $0xFFFF8300  }
0x16d: {  	[hbm4b:s25+s5] =	stream.strided.scatter [tilespmem:s6], [sflag:$0x2], $0x7D00, s4, s5, $0x38;
	[tilespmem:$0x17780] =	vst v63  }
0x16e: {  	_ =	swait.ge [sflag:s8], $0x7D00  }
0x16f: {  	[sflag:s8] =	ssyncset.done $0x0  }
0x170: {  	s26 =	sadd.s32 s2, s13;
	[sflag:s8] =	ssyncadd.s32 $0xFFFF8300  }
0x171: {  	[tilespmem:s5], [sflag:$0x1] =	stream.strided.gather [hbm4b:s26+s5], $0x7D00, s4, s5, $0x38;
	[tilespmem:$0x17780] =	vst v63  }
0x172: {  	_ =	swait.ge [sflag:s7], $0x7D00  }
0x173: {  	[sflag:s7] =	ssyncset.done $0x0  }
0x174: {  	s28 =	rddreg [dreg:$0x15];
	[sflag:s7] =	ssyncadd.s32 $0xFFFF8300  }
0x175: {  	[hbm4b:s28+s5] =	stream.strided.scatter [tilespmem:s9], [sflag:$0x2], $0x7D00, s4, s5, $0x38;
	[tilespmem:$0x17780] =	vst v63  }
0x176: {  	_ =	swait.ge [sflag:s8], $0x7D00  }
0x177: {  	[sflag:s8] =	ssyncset.done $0x0  }
0x178: {  	s29 =	sadd.s32 s2, s12;
	[sflag:s8] =	ssyncadd.s32 $0xFFFF8300  }
0x179: {  	[tilespmem:s6], [sflag:$0x1] =	stream.strided.gather [hbm4b:s29+s5], $0x7D00, s4, s5, $0x38;
	[tilespmem:$0x17780] =	vst v63  }
0x17a: {  	_ =	swait.ge [sflag:s7], $0x7D00  }
0x17b: {  	[sflag:s7] =	ssyncset.done $0x0  }
0x17c: {  	s30 =	rddreg [dreg:$0x16];
	[sflag:s7] =	ssyncadd.s32 $0xFFFF8300  }
0x17d: {  	[hbm4b:s30+s5] =	stream.strided.scatter [tilespmem:s5], [sflag:$0x2], $0x7D00, s4, s5, $0x38;
	[tilespmem:$0x17780] =	vst v63  }
0x17e: {  	_ =	swait.ge [sflag:s7], $0x7D00  }
0x17f: {  	[sflag:s7] =	ssyncset.done $0x0  }
0x180: {  	s31 =	rddreg [dreg:$0x17];
	[sflag:s7] =	ssyncadd.s32 $0xFFFF8300  }
0x181: {  	[hbm4b:s31+s5] =	stream.strided.scatter [tilespmem:s6], [sflag:$0x2], $0x7D00, s4, s5, $0x38;
	[tilespmem:$0x17780] =	vst v63  }
0x182: {  	_ =	swait.ge [sflag:s8], $0x7D00  }
0x183: {  	[sflag:s8] =	ssyncset.done $0x0  }
0x184: {  	[sflag:s8] =	ssyncadd.s32 $0xFFFF8300  }
0x185: {  	_ =	swait.ge [sflag:s8], $0x7D00  }
0x186: {  	[sflag:s8] =	ssyncset.done $0x0  }
0x187: {  	[sflag:s8] =	ssyncadd.s32 $0xFFFF8300  }
0x188: {  	_ =	swait.ge [sflag:s8], $0x7D00  }
0x189: {  	[sflag:s8] =	ssyncset.done $0x0  }
0x18a: {  	[sflag:s8] =	ssyncadd.s32 $0xFFFF8300  }
0x18b: {  	_ =	sfence.sel $0x180000  }
0x18c: {  	[bflag:$0x0] =	sbarrier.arrive $0xFFFF  }
0x18d: {  	p0 =	sne.s32 s1, $0x0;
	_ =	strace $0x9000004A  }
0x18e: {  	s0 =	sadd.s32 @!p0 $0x100000, s0;
	[bflag:$0x2] =	sbarrier.arrive $0xFFFF  }
0x18f: {  	[sflag:s0] =	ssyncadd.tile.s32 @!p0 $0x1;
	_ =	shalt  }
.Lfunc_end2:
_tile_overlayer_lowered:
.L_overlay_start_2:
0x190: {  	(tag) =	ssettag $0x2  }
0x191: {  	s0 =	rddreg [dreg:$0x0];
	s2 =	stileid.u32  }
0x192: {  	s1 =	rddreg [dreg:$0x1];
	p0 =	sne.s32 s2, $0x0  }
0x193: {  	s3 =	rddreg [dreg:$0x2];
	[bflag:$0x3] =	sbarrier.arrive $0xFFFF;
	s2 =	simm.s32 @!p0 $0x1C03  }
0x194: {  	[timem:s3], [sflag:s2] =	dma.local @!p0 [hbm:s0], s1  }
0x195: {  	s0 =	simm.s32 @!p0 $0x3  }
0x196: {  	_ =	swait.ge @!p0 [sflag:s0], s1  }
0x197: {  	s1 =	ssub.s32 @!p0 $0x0, s1;
	[sflag:s0] =	ssyncset.done @!p0 $0x0  }
0x198: {  	[sflag:s0] =	ssyncadd.s32 @!p0 s1  }
0x199: {  	[bflag:$0x3] =	sbarrier.arrive $0xFFFF  }
0x19a: {  	_ =	shalt  }

// kernel: sparse-core-data-format-call.1.cloned.1.call-start
scs
called_computation.1_lowered:
.L_overlay_start_0:
0x0: {  	s2 =	sld [smem:$0x3FD9]  }
0x1: {  	s3 =	sld [smem:$0x3FFE];
	_ =	sdelay $0x1  }
0x2: {  	s1 =	srdreg.scid  }
0x3: {  	s0 =	sand.u32 $0x1, s1  }
0x4: {  	s19 =	sshll.u32 s0, $0xA;
	s2 =	sadd.s32 s3, s2  }
0x5: {  	s2 =	sadd.s32 s2, s19  }
0x6: {  	[smem:$0x3FC7] =	sst s2  }
0x7: {  	_ = 	snop  }
0x8: {  	s2 =	sld [smem:$0x3FC9]  }
0x9: {  	s20 =	sld [smem:$0x3FD0];
	(tm) =	ssettm $0x1  }
0xa: {  	s4 =	sld [smem:$0x3FFB];
	_ =	sdelay $0x3  }
0xb: {  	_ =	strace s4  }
0xc: {  	s4 =	sld [smem:$0x3FFC];
	_ =	sdelay $0x3  }
0xd: {  	_ =	strace s4  }
0xe: {  	s4 =	sld [smem:$0x3FFD];
	_ =	sdelay $0x3  }
0xf: {  	_ =	strace s4  }
0x10: {  	_ =	strace $0x8FFFFFFF  }
0x11: {  	s21 =	sld [smem:$0x3FDB];
	_ =	sdelay $0x1  }
0x12: {  	s5 =	simm.s32 $_scs_section_size  }
0x13: {  	s6 =	simm.s32 $_size__tile_overlayer_lowered;
	s7 =	simm.s32 $_tile_overlayer_lowered  }
0x14: {  	s24 =	simm.s32 $0x1BFF;
	s23 =	sshll.u32 s7, $0x1;
	s4 =	sadd.s32 s5, s21  }
0x15: {  	s8 =	simm.s32 $0x0;
	s22 =	sshll.u32 s6, $0x1;
	s6 =	sadd.s32 s23, s4  }
0x16: {  	[timem:s8], [sflag:s24] =	dma.local [hbm:s6], s22  }
0x17: {  	_ =	swait.ge [sflag:s24], s22  }
0x18: {  	s5 =	ssub.s32 $0x0, s22;
	[sflag:s24] =	ssyncset.done $0x0  }
0x19: {  	[sflag:s24] =	ssyncadd.s32 s5;
	_ =	sdelay $0x1  }
0x1a: {  	s25 =	simm.s32 $0x1B8B  }
0x1b: {  	_ =	swait.ge [sflag:s25], $0x1  }
0x1c: {  	[sflag:s25] =	ssyncset.done $0x0  }
0x1d: {  	s26 =	simm.s32 $0x1B8E;
	[sflag:s25] =	ssyncadd.s32 $0xFFFFFFFF  }
0x1e: {  	s27 =	simm.s32 $execute0_lowered;
	[smem:$0x3FD2] =	sst s26  }
0x1f: {  	s5 =	sshll.u32 s27, $0x1;
	_ =	strace $0x80000046;
	[dreg:$0x1] =	wrdreg $0xFFFFFFFF  }
0x20: {  	s28 =	simm.s32 $_size_execute0_lowered;
	s4 =	sadd.s32 s4, s5;
	[dreg:$0x0] =	wrdreg $0x0  }
0x21: {  	s5 =	sshll.u32 s28, $0x1;
	[dreg:$0x2] =	wrdreg s4  }
0x22: {  	[dreg:$0x3] =	wrdreg s5  }
0x23: {  	[dreg:$0x4] =	wrdreg $0xC0  }
0x24: {  	_ =	task [dreg:s8], $0x5FFFF  }
0x25: {  	[dreg:$0x1] =	wrdreg $0xFFFFFFFF  }
0x26: {  	[dreg:$0x0] =	wrdreg $0x60  }
0x27: {  	[dreg:$0x2] =	wrdreg s2  }
0x28: {  	[dreg:$0x3] =	wrdreg s20  }
0x29: {  	[dreg:$0x4] =	wrdreg $0x9  }
0x2a: {  	_ =	task.clear_ibuf [dreg:s8], $0x5FFFF;
	_ =	strace $0x90000046  }
0x2b: {  	s29 =	simm.s32 $0x9;
	_ =	strace $0x80000048  }
0x2c: {  	_ =	swait.ge [sflag:s29], $0x1  }
0x2d: {  	[sflag:s29] =	ssyncadd.s32 $0xFFFFFFFF  }
0x2e: {  	_ =	strace $0x90000048  }
0x2f: {  	_ =	sfence  }
0x30: {  	s30 =	sld [smem:$0x0];
	_ =	sdelay $0x2  }
0x31: {  	s31 =	sshll.u32 s1, $0xD;
	s1 =	sshrl.u32 s1, $0x2  }
0x32: {  	s3 =	sand.u32 $0x4000, s31;
	s1 =	sadd.s32 s1, s30  }
0x33: {  	s0 =	sor.u32 s3, s0;
	s1 =	sshll.u32 s1, $0x11  }
0x34: {  	s0 =	sor.u32 s1, s0  }
0x35: {  	s0 =	sadd.s32 $0x8F2B, s0  }
0x36: {  	[sflag:s0] =	ssyncadd.remote.s32 $0x1  }
0x37: {  	_ =	sfence.sel $0xFFFF  }
0x38: {  	[dreg:$0x0] =	wrdreg $0xFFFFFFFF;
	(pc) =	sbr.abs _section_cstart, $3  }
0x39: {  	[dreg:$0x1] =	wrdreg $0xFFFFFFFF  }
0x3a: {  	_ =	task.clear_ibuf [dreg:s8], $0x2FFFF;
	_ =	strace $0x9FFFFFFF  }
0x3b: {  	(tm) =	ssettm $0x7FFFFFFF  }
tec
execute0_lowered:
.L_overlay_start_1:
0x0: {  	(tag) =	ssettag $0x1  }
0x1: {  	s0 =	stileid.u32;
	s1 =	srdreg.scid  }
0x2: {  	s5 =	rddreg [dreg:$0x1];
	s31 =	simm.s32 $0x2;
	s16 =	simm.s32 $0x0  }
0x3: {  	s10 =	simm.s32 $0x0;
	s2 =	sshll.u32 s0, $0x7;
	s1 =	sshll.u32 s1, $0xB  }
0x4: {  	s17 =	simm.s32 $0x0;
	s15 =	simm.s32 $0x0;
	s1 =	sor.u32 s2, s1  }
0x5: {  	s12 =	simm.s32 $0x0;
	s3 =	sand.u32 $0x1, s0;
	s1 =	sand.u32 $0xF00, s1  }
0x6: {  	s14 =	simm.s32 $0x0;
	s6 =	ssub.s32 $0x2, s3;
	s4 =	ssub.s32 $0x27100, s1  }
0x7: {  	s2 =	rddreg [dreg:$0x0];
	s8 =	sshrl.u32 s6, $0x1;
	s7 =	sand.u32 $0xF00, s4  }
0x8: {  	s6 =	sand.u32 $0x1, s6;
	p0 =	sne.s32 s7, $0x0;
	s7 =	simm.s32 $0x1  }
.Ltmp0:
0x9: {  	s9 =	sshrl.u32 s4, $0xC;
	s7 =	simm.s32 @!p0 $0x0;
	(pc) =	sbr.rel .LBB1_1-.Ltmp0, $4  }
0xa: {  	s8 =	sadd.s32 s6, s8;
	s6 =	simm.s32 $0x1;
	s7 =	sadd.s32 s7, s9  }
0xb: {  	s4 =	rddreg [dreg:$0x2];
	_ =	strace $0x80000047;
	s7 =	smul.u32 s8, s7  }
0xc: {  	s13 =	smov.u32 s3;
	s11 =	smov.u32 s1;
	[sflag:s6] =	ssyncpa.u1 $0x0  }
0xd: {  	[sflag:s31] =	ssyncpa.u1 $0x0;
	s9 =	simm.s32 $0x138800;
	s8 =	sadd.s32 $0x1, s7  }
.LBB1_4:
0xe: {  	_ =	sdelay $0x3  }
0xf: {  	[tilespmem:v0+s20+$0x420 ss:$0x1] =	vst.idx.msk $0xffff, v4  }
0x10: {  	[tilespmem:v0+s20+$0x430 ss:$0x1] =	vst.idx.msk $0xffff, v7  }
0x11: {  	[tilespmem:v0+s20+$0x440 ss:$0x1] =	vst.idx.msk $0xffff, v3;
	v57 =	vld [tilespmem:s19+$0x10]  }
0x12: {  	s21 =	sadd.s32 $0x80, s21;
	[tilespmem:s22+$0x0] =	vst v5;
	v58 =	vld [tilespmem:s19+$0x20]  }
0x13: {  	s23 =	sand.u32 $0x3800, s24;
	[tilespmem:v0+s20+$0x450 ss:$0x1] =	vst.idx.msk $0xffff, v2;
	v59 =	vld [tilespmem:s19+$0x30];
	s30 =	sand.u32 $0x380, s21  }
0x14: {  	[tilespmem:v0+s20+$0x460 ss:$0x1] =	vst.idx.msk $0xffff, v1;
	v60 =	vld [tilespmem:s19+$0x40];
	s23 =	sor.u32 s30, s23  }
0x15: {  	v62 =	vld [tilespmem:s19+$0x50];
	[tilespmem:v0+s23+$0x470 ss:$0x1] =	vst.idx.msk $0xffff, v6  }
0x16: {  	s24 =	sshrl.u32 s17, $0x3;
	s25 =	sshll.u32 s16, $0x3;
	v63 =	vld [tilespmem:s19+$0x60];
	s31 =	sand.u32 $0x3B00, s23;
	[tilespmem:v0+s23+$0x410 ss:$0x1] =	vst.idx.msk $0xffff, v57  }
0x17: {  	v49 =	vld [tilespmem:s19+$0xFFFFFF90];
	s21 =	sand.u32 $0x80, s21;
	s20 =	smul.u32 $0x138800, s24;
	s22 =	sadd.s32 s31, s18;
	[tilespmem:v0+s23+$0x420 ss:$0x1] =	vst.idx.msk $0xffff, v58  }
0x18: {  	v50 =	vld [tilespmem:s19+$0xFFFFFFA0];
	s26 =	sshll.u32 s17, $0x7;
	s21 =	sadd.s32 s21, s22;
	s22 =	sand.u32 $0xFFFFFC00, s25;
	[tilespmem:v0+s23+$0x430 ss:$0x1] =	vst.idx.msk $0xffff, v59  }
0x19: {  	v51 =	vld [tilespmem:s19+$0xFFFFFFB0];
	s17 =	sand.u32 $0x380, s26;
	[tilespmem:v0+s23+$0x440 ss:$0x1] =	vst.idx.msk $0xffff, v60;
	s20 =	sadd.s32 s20, s22  }
0x1a: {  	v52 =	vld [tilespmem:s19+$0xFFFFFFC0];
	s27 =	sand.u32 $0x7F, s16;
	[tilespmem:v0+s23+$0x450 ss:$0x1] =	vst.idx.msk $0xffff, v62;
	s17 =	sor.u32 s17, s20  }
0x1b: {  	v53 =	vld [tilespmem:s19+$0xFFFFFFD0];
	[tilespmem:v0+s23+$0x460 ss:$0x1] =	vst.idx.msk $0xffff, v63;
	s16 =	sor.u32 s27, s17  }
0x1c: {  	v54 =	vld [tilespmem:s19+$0xFFFFFFE0];
	[tilespmem:s21+$0x10] =	vst v49;
	s28 =	smulhi.u32 $0xD1B71759, s16  }
0x1d: {  	v55 =	vld [tilespmem:s19+$0xFFFFFFF0];
	[tilespmem:s21+$0x20] =	vst v50;
	s17 =	smulhi.u32 $0xD1B71759, s17  }
0x1e: {  	v56 =	vld [tilespmem:s19+$0x0];
	[tilespmem:s21+$0x30] =	vst v51;
	s20 =	sshrl.u32 s28, $0x11  }
0x1f: {  	v61 =	vld [tilespmem:s19+$0xFFFFFF80];
	[tilespmem:s21+$0x40] =	vst v52;
	s17 =	sshrl.u32 s17, $0x11;
	s29 =	smul.u32 $0x27100, s20  }
0x20: {  	s15 =	smul.u32 $0x138800, s15;
	[tilespmem:s21+$0x50] =	vst v53;
	s17 =	sand.u32 $0x3F, s17  }
0x21: {  	[tilespmem:s21+$0x60] =	vst v54;
	s17 =	smul.u32 $0x4E20, s17;
	s16 =	ssub.s32 s16, s29  }
0x22: {  	s15 =	sadd.s32 s5, s15;
	[tilespmem:s21+$0x70] =	vst v55;
	s19 =	sand.u32 $0x7, s16  }
0x23: {  	[tilespmem:s21+$0x400] =	vst v56;
	s15 =	sadd.s32 s17, s15;
	s16 =	sshrl.u32 s16, $0x3;
	s30 =	sshll.u32 s19, $0x12  }
0x24: {  	[tilespmem:s21+$0x0] =	vst v61;
	s15 =	sadd.s32 s16, s15;
	s31 =	sor.u32 $0x800, s30  }
0x25: {  	[hbm4b:s15+s31] =	stream.strided.scatter [tilespmem:s18], [sflag:$0x2], $0x4000, s9, s31, $0x38;
	[tilespmem:$0x10000] =	vst v63  }
.LBB1_5:
0x26: {  	s18 =	sadd.s32 $0x1000, s11  }
0x27: {  	s15 =	sadd.s32 $0x40, s12;
	s19 =	smov.u32 s12;
	p1 =	sgt.s32 s18, $0x270FF  }
0x28: {  	s19 =	smov.u32 @p1 s15  }
0x29: {  	s21 =	smov.u32 s13;
	s15 =	sadd.s32 $0x2, s13;
	p2 =	sgt.s32 s19, $0x3F  }
0x2a: {  	s21 =	smov.u32 @p2 s15  }
0x2b: {  	s18 =	smov.u32 @p1 s1;
	p1 =	sgt.s32 s21, $0x1  }
0x2c: {  	p0 =	slt.u32 s14, $0x2;
	s21 =	smov.u32 @p1 s3;
	p1 =	sne.s32 s14, s8  }
.Ltmp1:
0x2d: {  	s20 =	simm.s32 @!p0 $0x2;
	(pc) =	sbr.rel @!p1 .LBB1_6-.Ltmp1, $4  }
0x2e: {  	s16 =	smov.u32 s11;
	s17 =	smov.u32 s12;
	_ =	swait.ge @!p0 [sflag:s20], $0x4000  }
0x2f: {  	s10 =	sadd.s32 $0x4000, s10;
	[sflag:s20] =	ssyncset.done @!p0 $0x0;
	s11 =	smov.u32 s18  }
0x30: {  	s19 =	simm.s32 @p2 $0x0;
	s15 =	smov.u32 s13;
	[sflag:s20] =	ssyncadd.s32 @!p0 $0xFFFFC000  }
0x31: {  	s12 =	smov.u32 s19;
	s14 =	sadd.s32 $0x1, s14;
	s13 =	smov.u32 s21  }
.LBB1_1:
0x32: {  	p0 =	sge.u32 s14, s7  }
0x33: {  	s18 =	smulhi.u32 @!p0 $0xD1B71759, s11;
	_ =	sdelay $0x1  }
0x34: {  	s18 =	sshrl.u32 @!p0 s18, $0x11  }
0x35: {  	s18 =	smul.u32 @!p0 $0x27100, s18  }
0x36: {  	s31 =	sadd.s32 $0xFFFFFFFF, s14;
	s19 =	sxor.u32 @!p0 $0xFFFFFFFF, s14;
	s20 =	smul.u32 @!p0 $0x138800, s13  }
0x37: {  	s21 =	smul.u32 @!p0 $0x4E20, s12;
	s19 =	sshll.u32 @!p0 s19, $0xE;
	s18 =	ssub.s32 @!p0 s11, s18  }
0x38: {  	s19 =	sand.u32 @!p0 $0x4000, s19;
	s20 =	sadd.s32 @!p0 s2, s20;
	s22 =	sand.u32 @!p0 $0x7, s18  }
0x39: {  	s20 =	sadd.s32 @!p0 s21, s20;
	s18 =	sshrl.u32 @!p0 s18, $0x3;
	s21 =	sshll.u32 @!p0 s22, $0x12  }
0x3a: {  	s18 =	sadd.s32 @!p0 s18, s20;
	s20 =	sor.u32 @!p0 $0x100, s21;
	s21 =	simm.s32 @!p0 $0x27100  }
0x3b: {  	[tilespmem:s19], [sflag:$0x1] =	stream.strided.gather @!p0 [hbm4b:s18+s20], $0x4000, s21, s20, $0x38;
	[tilespmem:$0x10000] =	vst v63  }
0x3c: {  	p0 =	sge.u32 s31, s7  }
.Ltmp2:
0x3d: {  	_ = 	snop;
	(pc) =	sbr.rel @p0 .LBB1_5-.Ltmp2, $1  }
0x3e: {  	_ =	sdelay $0x3  }
0x3f: {  	_ =	swait.ge [sflag:s6], $0x4000  }
0x40: {  	s18 =	sand.u32 $0x4000, s10;
	[sflag:s6] =	ssyncset.done $0x0  }
0x41: {  	s31 =	sshll.u32 s14, $0xE;
	s19 =	sor.u32 $0x80, s18;
	[sflag:s6] =	ssyncadd.s32 $0xFFFFC000  }
0x42: {  	s18 =	sand.u32 $0x4000, s31;
	v1 =	vld [tilespmem:s19+$0x70]  }
0x43: {  	s18 =	sor.u32 $0x8000, s18;
	v2 =	vld [tilespmem:s19+$0xFFFFFF90]  }
0x44: {  	s21 =	simm.s32 $0x0;
	v0 =	vmov s18;
	v3 =	vld [tilespmem:s19+$0xFFFFFFA0]  }
0x45: {  	s20 =	sand.u32 $0x3800, s21;
	s22 =	sand.u32 $0x380, s21;
	v4 =	vld [tilespmem:s19+$0xFFFFFFB0]  }
0x46: {  	s20 =	sor.u32 s22, s20;
	v5 =	vld [tilespmem:s19+$0xFFFFFFC0]  }
0x47: {  	s22 =	sand.u32 $0x3B00, s20;
	v6 =	vld [tilespmem:s19+$0xFFFFFFD0]  }
0x48: {  	s23 =	sand.u32 $0x80, s21;
	v8 =	vld [tilespmem:s19+$0xFFFFFFE0];
	s22 =	sadd.s32 s22, s18  }
0x49: {  	v9 =	vld [tilespmem:s19+$0x0];
	s22 =	sadd.s32 s23, s22;
	[tilespmem:v0+s20+$0x470 ss:$0x1] =	vst.idx.msk $0xffff, v1  }
0x4a: {  	v10 =	vld [tilespmem:s19+$0x10];
	[tilespmem:s22+$0x10] =	vst v2  }
0x4b: {  	v7 =	vld [tilespmem:s19+$0x30];
	[tilespmem:s22+$0x20] =	vst v3  }
0x4c: {  	v1 =	vld [tilespmem:s19+$0xFFFFFFF0];
	[tilespmem:s22+$0x30] =	vst v4  }
0x4d: {  	v4 =	vld [tilespmem:s19+$0x20];
	[tilespmem:s22+$0x40] =	vst v5  }
0x4e: {  	[tilespmem:s22+$0x50] =	vst v6;
	v3 =	vld [tilespmem:s19+$0x40]  }
0x4f: {  	[tilespmem:s22+$0x60] =	vst v8;
	v2 =	vld [tilespmem:s19+$0x50]  }
0x50: {  	v5 =	vld [tilespmem:s19+$0xFFFFFF80];
	[tilespmem:s22+$0x400] =	vst v9  }
0x51: {  	[tilespmem:s22+$0x70] =	vst v1;
	v1 =	vld [tilespmem:s19+$0x60];
	s19 =	sadd.s32 $0x100, s19  }
0x52: {  	s24 =	simm.s32 $0x100;
	s23 =	simm.s32 $0x200;
	[tilespmem:v0+s20+$0x410 ss:$0x1] =	vst.idx.msk $0xffff, v10;
	v6 =	vld [tilespmem:s19+$0x70]  }
.LBB1_3:
0x53: {  	p0 =	sne.s32 s23, $0x3F00;
	v8 =	vld [tilespmem:s19+$0xFFFFFF90];
	[tilespmem:v0+s20+$0x420 ss:$0x1] =	vst.idx.msk $0xffff, v4  }
0x54: {  	s21 =	sadd.s32 $0x80, s21;
	v4 =	vld [tilespmem:s19+$0xFFFFFFA0];
	[tilespmem:v0+s20+$0x430 ss:$0x1] =	vst.idx.msk $0xffff, v7  }
0x55: {  	s24 =	sand.u32 $0x3800, s24;
	s25 =	sand.u32 $0x380, s21;
	s26 =	sand.u32 $0x80, s21;
	v7 =	vld [tilespmem:s19+$0xFFFFFFB0];
	[tilespmem:v0+s20+$0x440 ss:$0x1] =	vst.idx.msk $0xffff, v3  }
0x56: {  	s25 =	sor.u32 s25, s24;
	s24 =	smov.u32 s23;
	v3 =	vld [tilespmem:s19+$0xFFFFFFC0];
	[tilespmem:s22+$0x0] =	vst v5  }
0x57: {  	s22 =	sand.u32 $0x3B00, s25;
	v5 =	vld [tilespmem:s19+$0xFFFFFFD0];
	[tilespmem:v0+s25+$0x470 ss:$0x1] =	vst.idx.msk $0xffff, v6  }
0x58: {  	s22 =	sadd.s32 s22, s18;
	v6 =	vld [tilespmem:s19+$0xFFFFFFE0];
	[tilespmem:v0+s20+$0x450 ss:$0x1] =	vst.idx.msk $0xffff, v2  }
0x59: {  	s22 =	sadd.s32 s26, s22;
	v9 =	vld [tilespmem:s19+$0xFFFFFFF0];
	[tilespmem:v0+s20+$0x460 ss:$0x1] =	vst.idx.msk $0xffff, v1;
	s20 =	smov.u32 s25  }
0x5a: {  	[tilespmem:s22+$0x10] =	vst v8;
	v8 =	vld [tilespmem:s19+$0x0]  }
0x5b: {  	[tilespmem:s22+$0x20] =	vst v4;
	v10 =	vld [tilespmem:s19+$0x10]  }
0x5c: {  	[tilespmem:s22+$0x30] =	vst v7;
	v4 =	vld [tilespmem:s19+$0x20]  }
0x5d: {  	[tilespmem:s22+$0x40] =	vst v3;
	v7 =	vld [tilespmem:s19+$0x30]  }
.Ltmp3:
0x5e: {  	[tilespmem:s22+$0x50] =	vst v5;
	v3 =	vld [tilespmem:s19+$0x40];
	(pc) =	sbr.rel @p0 .LBB1_3-.Ltmp3, $4  }
0x5f: {  	[tilespmem:s22+$0x60] =	vst v6;
	v2 =	vld [tilespmem:s19+$0x50]  }
0x60: {  	[tilespmem:s22+$0x70] =	vst v9;
	v1 =	vld [tilespmem:s19+$0x60]  }
0x61: {  	v5 =	vld [tilespmem:s19+$0xFFFFFF80];
	[tilespmem:s22+$0x400] =	vst v8;
	s19 =	sadd.s32 $0x100, s19  }
0x62: {  	s23 =	sadd.s32 $0x100, s23;
	v6 =	vld [tilespmem:s19+$0x70];
	[tilespmem:v0+s20+$0x410 ss:$0x1] =	vst.idx.msk $0xffff, v10  }
.Ltmp4:
0x63: {  	_ = 	snop;
	(pc) =	sbr.rel .LBB1_4-.Ltmp4, $1  }
0x64: {  	_ =	sdelay $0x3  }
.LBB1_6:
0x65: {  	_ =	sfence.sel $0x180000  }
0x66: {  	s1 =	simm.s32 $0x1;
	[bflag:$0x0] =	sbarrier.arrive $0xFFFF  }
0x67: {  	s31 =	simm.s32 $0x2;
	[sflag:s1] =	ssyncpa.u1 $0x1  }
0x68: {  	[sflag:s31] =	ssyncpa.u1 $0x1  }
0x69: {  	p0 =	sne.s32 s0, $0x0;
	_ =	strace $0x90000047  }
0x6a: {  	s0 =	sadd.s32 @!p0 $0x100000, s4;
	[bflag:$0x2] =	sbarrier.arrive $0xFFFF  }
0x6b: {  	[sflag:s0] =	ssyncadd.tile.s32 @!p0 $0x1;
	_ =	shalt  }
.Lfunc_end1:
_tile_overlayer_lowered:
.L_overlay_start_2:
0x6c: {  	(tag) =	ssettag $0x2  }
0x6d: {  	s0 =	rddreg [dreg:$0x0];
	s2 =	stileid.u32  }
0x6e: {  	s1 =	rddreg [dreg:$0x1];
	p0 =	sne.s32 s2, $0x0  }
0x6f: {  	s3 =	rddreg [dreg:$0x2];
	[bflag:$0x3] =	sbarrier.arrive $0xFFFF;
	s2 =	simm.s32 @!p0 $0x1C01  }
0x70: {  	[timem:s3], [sflag:s2] =	dma.local @!p0 [hbm:s0], s1  }
0x71: {  	s0 =	simm.s32 @!p0 $0x1  }
0x72: {  	_ =	swait.ge @!p0 [sflag:s0], s1  }
0x73: {  	s1 =	ssub.s32 @!p0 $0x0, s1;
	[sflag:s0] =	ssyncset.done @!p0 $0x0  }
0x74: {  	[sflag:s0] =	ssyncadd.s32 @!p0 s1  }
0x75: {  	[bflag:$0x3] =	sbarrier.arrive $0xFFFF  }
0x76: {  	_ =	shalt  }

// kernel: sparse-core-data-format-call.cloned.1.call-start
scs
called_computation_lowered:
.L_overlay_start_0:
0x0: {  	s2 =	sld [smem:$0x3FD9]  }
0x1: {  	s3 =	sld [smem:$0x3FFE];
	_ =	sdelay $0x1  }
0x2: {  	s1 =	srdreg.scid  }
0x3: {  	s0 =	sand.u32 $0x1, s1  }
0x4: {  	s18 =	sshll.u32 s0, $0xA;
	s2 =	sadd.s32 s3, s2  }
0x5: {  	s2 =	sadd.s32 s2, s18  }
0x6: {  	[smem:$0x3FC7] =	sst s2  }
0x7: {  	_ = 	snop  }
0x8: {  	s2 =	sld [smem:$0x3FD0];
	(tm) =	ssettm $0x1  }
0x9: {  	s19 =	sld [smem:$0x3FFB];
	_ =	sdelay $0x3  }
0xa: {  	_ =	strace s19  }
0xb: {  	s3 =	sld [smem:$0x3FFC];
	_ =	sdelay $0x3  }
0xc: {  	_ =	strace s3  }
0xd: {  	s3 =	sld [smem:$0x3FFD];
	_ =	sdelay $0x3  }
0xe: {  	_ =	strace s3  }
0xf: {  	_ =	strace $0x8FFFFFFF  }
0x10: {  	s20 =	sld [smem:$0x3FDB];
	_ =	sdelay $0x1  }
0x11: {  	s4 =	simm.s32 $_scs_section_size  }
0x12: {  	s5 =	simm.s32 $_size__tile_overlayer_lowered;
	s6 =	simm.s32 $_tile_overlayer_lowered  }
0x13: {  	s23 =	simm.s32 $0x1BFF;
	s22 =	sshll.u32 s6, $0x1;
	s3 =	sadd.s32 s4, s20  }
0x14: {  	s7 =	simm.s32 $0x0;
	s21 =	sshll.u32 s5, $0x1;
	s5 =	sadd.s32 s22, s3  }
0x15: {  	[timem:s7], [sflag:s23] =	dma.local [hbm:s5], s21  }
0x16: {  	_ =	swait.ge [sflag:s23], s21  }
0x17: {  	s4 =	ssub.s32 $0x0, s21;
	[sflag:s23] =	ssyncset.done $0x0  }
0x18: {  	[sflag:s23] =	ssyncadd.s32 s4;
	_ =	sdelay $0x1  }
0x19: {  	s24 =	simm.s32 $0x1B8B  }
0x1a: {  	_ =	swait.ge [sflag:s24], $0x1  }
0x1b: {  	[sflag:s24] =	ssyncset.done $0x0  }
0x1c: {  	s26 =	simm.s32 $0x1B8E;
	s25 =	sld [smem:$0x3FFE];
	[sflag:s24] =	ssyncadd.s32 $0xFFFFFFFF  }
0x1d: {  	s27 =	simm.s32 $execute0_lowered;
	[smem:$0x3FD2] =	sst s26  }
0x1e: {  	s5 =	sshll.u32 s27, $0x1;
	_ =	strace $0x8000004C;
	[dreg:$0x1] =	wrdreg $0xFFFFFFFF  }
0x1f: {  	s28 =	simm.s32 $_size_execute0_lowered;
	s3 =	sadd.s32 s3, s5;
	[dreg:$0x0] =	wrdreg $0x0  }
0x20: {  	s5 =	sshll.u32 s28, $0x1;
	[dreg:$0x2] =	wrdreg s3  }
0x21: {  	[dreg:$0x3] =	wrdreg s5  }
0x22: {  	[dreg:$0x4] =	wrdreg $0xC0  }
0x23: {  	_ =	task [dreg:s7], $0x5FFFF  }
0x24: {  	[dreg:$0x1] =	wrdreg $0xFFFFFFFF  }
0x25: {  	[dreg:$0x0] =	wrdreg $0x60  }
0x26: {  	[dreg:$0x2] =	wrdreg s25  }
0x27: {  	[dreg:$0x3] =	wrdreg s2  }
0x28: {  	[dreg:$0x4] =	wrdreg $0x9  }
0x29: {  	_ =	task.clear_ibuf [dreg:s7], $0x5FFFF;
	_ =	strace $0x9000004C  }
0x2a: {  	s29 =	simm.s32 $0x9;
	_ =	strace $0x8000004E  }
0x2b: {  	_ =	swait.ge [sflag:s29], $0x1  }
0x2c: {  	[sflag:s29] =	ssyncadd.s32 $0xFFFFFFFF  }
0x2d: {  	_ =	strace $0x9000004E  }
0x2e: {  	_ =	sfence  }
0x2f: {  	s30 =	sld [smem:$0x0];
	_ =	sdelay $0x2  }
0x30: {  	s31 =	sshll.u32 s1, $0xD;
	s1 =	sshrl.u32 s1, $0x2  }
0x31: {  	s3 =	sand.u32 $0x4000, s31;
	s1 =	sadd.s32 s1, s30  }
0x32: {  	s0 =	sor.u32 s3, s0;
	s1 =	sshll.u32 s1, $0x11  }
0x33: {  	s0 =	sor.u32 s1, s0  }
0x34: {  	s0 =	sadd.s32 $0x8F2B, s0  }
0x35: {  	[sflag:s0] =	ssyncadd.remote.s32 $0x1  }
0x36: {  	_ =	sfence.sel $0xFFFF  }
0x37: {  	[dreg:$0x0] =	wrdreg $0xFFFFFFFF;
	(pc) =	sbr.abs _section_cstart, $3  }
0x38: {  	[dreg:$0x1] =	wrdreg $0xFFFFFFFF  }
0x39: {  	_ =	task.clear_ibuf [dreg:s7], $0x2FFFF;
	_ =	strace $0x9FFFFFFF  }
0x3a: {  	(tm) =	ssettm $0x7FFFFFFF  }
0x3b: {  	_ =	shalt  }
tec
execute0_lowered:
.L_overlay_start_1:
0x0: {  	(tag) =	ssettag $0x1  }
0x1: {  	s0 =	stileid.u32  }
0x2: {  	s1 =	srdreg.scid;
	s7 =	rddreg [dreg:$0x0]  }
0x3: {  	s4 =	rddreg [dreg:$0x1];
	s31 =	simm.s32 $0x2;
	s15 =	simm.s32 $0x0  }
0x4: {  	s10 =	simm.s32 $0x0;
	s2 =	sshll.u32 s0, $0x7;
	s1 =	sshll.u32 s1, $0xB  }
0x5: {  	s16 =	simm.s32 $0x0;
	s17 =	simm.s32 $0x0;
	s1 =	sor.u32 s2, s1  }
0x6: {  	s12 =	simm.s32 $0x0;
	s2 =	sand.u32 $0x1, s0;
	s1 =	sand.u32 $0xF00, s1  }
0x7: {  	s14 =	simm.s32 $0x0;
	s5 =	ssub.s32 $0x2, s2;
	s3 =	ssub.s32 $0x27100, s1  }
0x8: {  	s7 =	sadd.s32 $0x1000, s7;
	s8 =	sshrl.u32 s5, $0x1;
	s6 =	sand.u32 $0xF00, s3  }
0x9: {  	s5 =	sand.u32 $0x1, s5;
	p0 =	sne.s32 s6, $0x0;
	s6 =	simm.s32 $0x1  }
.Ltmp0:
0xa: {  	s9 =	sshrl.u32 s3, $0xC;
	s6 =	simm.s32 @!p0 $0x0;
	(pc) =	sbr.rel .LBB1_1-.Ltmp0, $4  }
0xb: {  	s3 =	rddreg [dreg:$0x2];
	s8 =	sadd.s32 s5, s8;
	s6 =	sadd.s32 s6, s9  }
0xc: {  	_ =	strace $0x8000004D;
	s5 =	simm.s32 $0x1;
	s6 =	smul.u32 s8, s6  }
0xd: {  	s13 =	smov.u32 s2;
	s11 =	smov.u32 s1;
	[sflag:s5] =	ssyncpa.u1 $0x0  }
0xe: {  	[sflag:s31] =	ssyncpa.u1 $0x0;
	s9 =	simm.s32 $0x27100;
	s8 =	sadd.s32 $0x1, s6  }
.LBB1_4:
0xf: {  	_ =	sdelay $0x1  }
0x10: {  	[tilespmem:s20+$0xFFFFFFE0] =	vst v8  }
0x11: {  	[tilespmem:s20+$0xFFFFFFF0] =	vst v7  }
0x12: {  	s23 =	sor.u32 s25, s24;
	[tilespmem:s20+$0x10] =	vst v1;
	v47 =	vld.idx.msk [tilespmem:v0+s21+$0x470 ss:$0x1], $0xffff  }
0x13: {  	[tilespmem:s20+$0x20] =	vst v2;
	v57 =	vld.idx.msk [tilespmem:v0+s23+$0x410 ss:$0x1], $0xffff  }
0x14: {  	[tilespmem:s20+$0x30] =	vst v3;
	v58 =	vld.idx.msk [tilespmem:v0+s23+$0x420 ss:$0x1], $0xffff  }
0x15: {  	[tilespmem:s20+$0x40] =	vst v4;
	v59 =	vld.idx.msk [tilespmem:v0+s23+$0x430 ss:$0x1], $0xffff  }
0x16: {  	[tilespmem:s20+$0x50] =	vst v5;
	v60 =	vld.idx.msk [tilespmem:v0+s23+$0x440 ss:$0x1], $0xffff  }
0x17: {  	[tilespmem:s20+$0x60] =	vst v6;
	s24 =	sand.u32 $0x3B00, s23;
	v61 =	vld.idx.msk [tilespmem:v0+s23+$0x450 ss:$0x1], $0xffff  }
0x18: {  	s22 =	sand.u32 $0x80, s22;
	s27 =	sadd.s32 $0x100, s20;
	v62 =	vld.idx.msk [tilespmem:v0+s23+$0x460 ss:$0x1], $0xffff;
	s19 =	sadd.s32 s24, s19;
	[tilespmem:s20+$0x70] =	vst v47  }
0x19: {  	v63 =	vld.idx.msk [tilespmem:v0+s23+$0x470 ss:$0x1], $0xffff;
	s19 =	sadd.s32 s22, s19;
	[tilespmem:s27+$0x10] =	vst v57  }
0x1a: {  	v48 =	vld [tilespmem:s19+$0x400];
	[tilespmem:s27+$0x20] =	vst v58  }
0x1b: {  	v49 =	vld [tilespmem:s19+$0x0];
	[tilespmem:s27+$0x30] =	vst v59  }
0x1c: {  	v50 =	vld [tilespmem:s19+$0x10];
	[tilespmem:s27+$0x40] =	vst v60  }
0x1d: {  	v51 =	vld [tilespmem:s19+$0x20];
	[tilespmem:s27+$0x50] =	vst v61  }
0x1e: {  	v52 =	vld [tilespmem:s19+$0x30];
	[tilespmem:s27+$0x60] =	vst v62  }
0x1f: {  	v53 =	vld [tilespmem:s19+$0x40];
	[tilespmem:s27+$0x70] =	vst v63  }
0x20: {  	s28 =	smulhi.u32 $0xD1B71759, s15;
	v54 =	vld [tilespmem:s19+$0x50];
	[tilespmem:s27+$0x0] =	vst v48  }
0x21: {  	v55 =	vld [tilespmem:s19+$0x60];
	[tilespmem:s27+$0xFFFFFF80] =	vst v49  }
0x22: {  	v56 =	vld [tilespmem:s19+$0x70];
	s19 =	sshrl.u32 s28, $0x11;
	[tilespmem:s27+$0xFFFFFF90] =	vst v50  }
0x23: {  	s19 =	smul.u32 $0x27100, s19;
	[tilespmem:s27+$0xFFFFFFA0] =	vst v51  }
0x24: {  	s17 =	smul.u32 $0x138800, s17;
	[tilespmem:s27+$0xFFFFFFB0] =	vst v52  }
0x25: {  	s16 =	smul.u32 $0x4E20, s16;
	s29 =	ssub.s32 s15, s19;
	[tilespmem:s27+$0xFFFFFFC0] =	vst v53  }
0x26: {  	s17 =	sadd.s32 s4, s17;
	s19 =	sand.u32 $0x7, s29;
	[tilespmem:s27+$0xFFFFFFD0] =	vst v54  }
0x27: {  	s16 =	sadd.s32 s16, s17;
	s15 =	sshrl.u32 s29, $0x3;
	[tilespmem:s27+$0xFFFFFFE0] =	vst v55;
	s30 =	sshll.u32 s19, $0x12  }
0x28: {  	[tilespmem:s27+$0xFFFFFFF0] =	vst v56;
	s15 =	sadd.s32 s15, s16;
	s31 =	sor.u32 $0x100, s30  }
0x29: {  	[hbm4b:s15+s31] =	stream.strided.scatter [tilespmem:s18], [sflag:$0x2], $0x4000, s9, s31, $0x38;
	[tilespmem:$0x10000] =	vst v63  }
.LBB1_5:
0x2a: {  	s18 =	sadd.s32 $0x1000, s11  }
0x2b: {  	s15 =	sadd.s32 $0x40, s12;
	s19 =	smov.u32 s12;
	p1 =	sgt.s32 s18, $0x270FF  }
0x2c: {  	s19 =	smov.u32 @p1 s15  }
0x2d: {  	s21 =	smov.u32 s13;
	s15 =	sadd.s32 $0x2, s13;
	p2 =	sgt.s32 s19, $0x3F  }
0x2e: {  	s21 =	smov.u32 @p2 s15  }
0x2f: {  	s18 =	smov.u32 @p1 s1;
	p1 =	sgt.s32 s21, $0x1  }
0x30: {  	p0 =	slt.u32 s14, $0x2;
	s21 =	smov.u32 @p1 s2;
	p1 =	sne.s32 s14, s8  }
.Ltmp1:
0x31: {  	s20 =	simm.s32 @!p0 $0x2;
	(pc) =	sbr.rel @!p1 .LBB1_6-.Ltmp1, $4  }
0x32: {  	s16 =	smov.u32 s12;
	s17 =	smov.u32 s13;
	_ =	swait.ge @!p0 [sflag:s20], $0x4000  }
0x33: {  	s10 =	sadd.s32 $0x4000, s10;
	[sflag:s20] =	ssyncset.done @!p0 $0x0;
	s19 =	simm.s32 @p2 $0x0  }
0x34: {  	s15 =	smov.u32 s11;
	[sflag:s20] =	ssyncadd.s32 @!p0 $0xFFFFC000;
	s11 =	smov.u32 s18  }
0x35: {  	s12 =	smov.u32 s19;
	s14 =	sadd.s32 $0x1, s14;
	s13 =	smov.u32 s21  }
.LBB1_1:
0x36: {  	p0 =	sge.u32 s14, s6  }
0x37: {  	s18 =	sshrl.u32 @!p0 s12, $0x3  }
0x38: {  	s19 =	sshll.u32 @!p0 s11, $0x3;
	s18 =	smul.u32 @!p0 $0x138800, s18  }
0x39: {  	s20 =	sshll.u32 @!p0 s12, $0x7;
	s19 =	sand.u32 @!p0 $0xFFFFFC00, s19  }
0x3a: {  	s18 =	sadd.s32 @!p0 s18, s19;
	s19 =	sand.u32 @!p0 $0x380, s20  }
0x3b: {  	s20 =	sand.u32 @!p0 $0x7F, s11;
	s18 =	sor.u32 @!p0 s19, s18  }
0x3c: {  	s19 =	sor.u32 @!p0 s20, s18  }
0x3d: {  	s20 =	smulhi.u32 @!p0 $0xD1B71759, s19  }
0x3e: {  	s18 =	smulhi.u32 @!p0 $0xD1B71759, s18  }
0x3f: {  	s20 =	sshrl.u32 @!p0 s20, $0x11  }
0x40: {  	s31 =	sadd.s32 $0xFFFFFFFF, s14;
	s18 =	sshrl.u32 @!p0 s18, $0x11;
	s20 =	smul.u32 @!p0 $0x27100, s20  }
0x41: {  	s21 =	sxor.u32 @!p0 $0xFFFFFFFF, s14;
	s22 =	smul.u32 @!p0 $0x138800, s13;
	s18 =	sand.u32 @!p0 $0x3F, s18  }
0x42: {  	s21 =	sshll.u32 @!p0 s21, $0xE;
	s18 =	smul.u32 @!p0 $0x4E20, s18;
	s19 =	ssub.s32 @!p0 s19, s20  }
0x43: {  	s20 =	sand.u32 @!p0 $0x4000, s21;
	s21 =	sadd.s32 @!p0 s7, s22;
	s22 =	sand.u32 @!p0 $0x7, s19  }
0x44: {  	s19 =	sshrl.u32 @!p0 s19, $0x3;
	s18 =	sadd.s32 @!p0 s18, s21;
	s21 =	sshll.u32 @!p0 s22, $0x12  }
0x45: {  	s18 =	sadd.s32 @!p0 s19, s18;
	s19 =	sor.u32 @!p0 $0x800, s21;
	s21 =	simm.s32 @!p0 $0x138800  }
0x46: {  	[tilespmem:s20], [sflag:$0x1] =	stream.strided.gather @!p0 [hbm4b:s18+s19], $0x4000, s21, s19, $0x38;
	[tilespmem:$0x10000] =	vst v63  }
0x47: {  	p0 =	sge.u32 s31, s6  }
.Ltmp2:
0x48: {  	_ = 	snop;
	(pc) =	sbr.rel @p0 .LBB1_5-.Ltmp2, $1  }
0x49: {  	_ =	sdelay $0x3  }
0x4a: {  	s30 =	simm.s32 $0x0  }
0x4b: {  	s20 =	sand.u32 $0x3800, s30;
	s21 =	sand.u32 $0x380, s30  }
0x4c: {  	s18 =	sshll.u32 s14, $0xE;
	s21 =	sor.u32 s21, s20  }
0x4d: {  	_ =	swait.ge [sflag:s5], $0x4000;
	s19 =	sand.u32 $0x4000, s18;
	s20 =	sand.u32 $0x3B00, s21  }
0x4e: {  	[sflag:s5] =	ssyncset.done $0x0;
	s18 =	sand.u32 $0x80, s30;
	s20 =	sadd.s32 s20, s19  }
0x4f: {  	[sflag:s5] =	ssyncadd.s32 $0xFFFFC000;
	s18 =	sadd.s32 s18, s20  }
0x50: {  	v4 =	vld [tilespmem:s18+$0x400]  }
0x51: {  	v5 =	vld [tilespmem:s18+$0x0]  }
0x52: {  	v6 =	vld [tilespmem:s18+$0x10]  }
0x53: {  	v0 =	vmov s19;
	v7 =	vld [tilespmem:s18+$0x20]  }
0x54: {  	v9 =	vld [tilespmem:s18+$0x30]  }
0x55: {  	v10 =	vld [tilespmem:s18+$0x40]  }
0x56: {  	s31 =	sand.u32 $0x4000, s10;
	v11 =	vld [tilespmem:s18+$0x50]  }
0x57: {  	s20 =	sor.u32 $0x8080, s31;
	v8 =	vld [tilespmem:s18+$0x60]  }
0x58: {  	v1 =	vld.idx.msk [tilespmem:v0+s21+$0x410 ss:$0x1], $0xffff;
	[tilespmem:s20+$0x0] =	vst v4  }
0x59: {  	v2 =	vld.idx.msk [tilespmem:v0+s21+$0x420 ss:$0x1], $0xffff;
	[tilespmem:s20+$0xFFFFFF80] =	vst v5  }
0x5a: {  	v3 =	vld.idx.msk [tilespmem:v0+s21+$0x430 ss:$0x1], $0xffff;
	[tilespmem:s20+$0xFFFFFF90] =	vst v6  }
0x5b: {  	[tilespmem:s20+$0xFFFFFFA0] =	vst v7;
	v7 =	vld [tilespmem:s18+$0x70]  }
0x5c: {  	s23 =	simm.s32 $0x100;
	[tilespmem:s20+$0xFFFFFFB0] =	vst v9;
	v4 =	vld.idx.msk [tilespmem:v0+s21+$0x440 ss:$0x1], $0xffff  }
0x5d: {  	s22 =	simm.s32 $0x80;
	s24 =	sand.u32 $0x3800, s23;
	[tilespmem:s20+$0xFFFFFFC0] =	vst v10;
	v5 =	vld.idx.msk [tilespmem:v0+s21+$0x450 ss:$0x1], $0xffff  }
0x5e: {  	s25 =	sand.u32 $0x380, s22;
	s23 =	simm.s32 $0x200;
	s18 =	sor.u32 $0x8000, s19;
	[tilespmem:s20+$0xFFFFFFD0] =	vst v11;
	v6 =	vld.idx.msk [tilespmem:v0+s21+$0x460 ss:$0x1], $0xffff  }
.LBB1_3:
0x5f: {  	p0 =	sne.s32 s23, $0x3F00;
	[tilespmem:s20+$0xFFFFFFE0] =	vst v8;
	v8 =	vld.idx.msk [tilespmem:v0+s21+$0x470 ss:$0x1], $0xffff;
	s21 =	sor.u32 s25, s24  }
0x60: {  	s24 =	sand.u32 $0x3B00, s21;
	v9 =	vld.idx.msk [tilespmem:v0+s21+$0x410 ss:$0x1], $0xffff;
	[tilespmem:s20+$0xFFFFFFF0] =	vst v7  }
0x61: {  	s25 =	sand.u32 $0x80, s22;
	s24 =	sadd.s32 s24, s19;
	v7 =	vld.idx.msk [tilespmem:v0+s21+$0x420 ss:$0x1], $0xffff;
	[tilespmem:s20+$0x10] =	vst v1  }
0x62: {  	s24 =	sadd.s32 s25, s24;
	v10 =	vld.idx.msk [tilespmem:v0+s21+$0x430 ss:$0x1], $0xffff;
	[tilespmem:s20+$0x20] =	vst v2  }
0x63: {  	v11 =	vld [tilespmem:s24+$0x400];
	[tilespmem:s20+$0x30] =	vst v3  }
0x64: {  	v12 =	vld [tilespmem:s24+$0x0];
	[tilespmem:s20+$0x40] =	vst v4  }
0x65: {  	v4 =	vld [tilespmem:s24+$0x10];
	[tilespmem:s20+$0x50] =	vst v5  }
0x66: {  	v1 =	vmov v9;
	v5 =	vld [tilespmem:s24+$0x20];
	[tilespmem:s20+$0x60] =	vst v6  }
0x67: {  	v2 =	vmov v7;
	v6 =	vld [tilespmem:s24+$0x30];
	[tilespmem:s20+$0x70] =	vst v8;
	s20 =	sadd.s32 $0x100, s20  }
0x68: {  	v3 =	vmov v10;
	v9 =	vld [tilespmem:s24+$0x40];
	[tilespmem:s20+$0x0] =	vst v11  }
0x69: {  	[tilespmem:s20+$0xFFFFFF80] =	vst v12;
	v10 =	vld [tilespmem:s24+$0x50]  }
.Ltmp3:
0x6a: {  	[tilespmem:s20+$0xFFFFFF90] =	vst v4;
	v8 =	vld [tilespmem:s24+$0x60];
	(pc) =	sbr.rel @p0 .LBB1_3-.Ltmp3, $4  }
0x6b: {  	[tilespmem:s20+$0xFFFFFFA0] =	vst v5;
	v7 =	vld [tilespmem:s24+$0x70]  }
0x6c: {  	[tilespmem:s20+$0xFFFFFFB0] =	vst v6;
	v4 =	vld.idx.msk [tilespmem:v0+s21+$0x440 ss:$0x1], $0xffff  }
0x6d: {  	s22 =	sadd.s32 $0x80, s22;
	[tilespmem:s20+$0xFFFFFFC0] =	vst v9;
	v5 =	vld.idx.msk [tilespmem:v0+s21+$0x450 ss:$0x1], $0xffff  }
0x6e: {  	s25 =	sand.u32 $0x380, s22;
	s24 =	sand.u32 $0x3800, s23;
	s23 =	sadd.s32 $0x100, s23;
	[tilespmem:s20+$0xFFFFFFD0] =	vst v10;
	v6 =	vld.idx.msk [tilespmem:v0+s21+$0x460 ss:$0x1], $0xffff  }
.Ltmp4:
0x6f: {  	_ = 	snop;
	(pc) =	sbr.rel .LBB1_4-.Ltmp4, $1  }
0x70: {  	_ =	sdelay $0x3  }
.LBB1_6:
0x71: {  	_ =	sfence.sel $0x180000  }
0x72: {  	s1 =	simm.s32 $0x1;
	[bflag:$0x0] =	sbarrier.arrive $0xFFFF  }
0x73: {  	s31 =	simm.s32 $0x2;
	[sflag:s1] =	ssyncpa.u1 $0x1  }
0x74: {  	[sflag:s31] =	ssyncpa.u1 $0x1  }
0x75: {  	p0 =	sne.s32 s0, $0x0;
	_ =	strace $0x9000004D  }
0x76: {  	s0 =	sadd.s32 @!p0 $0x100000, s3;
	[bflag:$0x2] =	sbarrier.arrive $0xFFFF  }
0x77: {  	[sflag:s0] =	ssyncadd.tile.s32 @!p0 $0x1;
	_ =	shalt  }
.Lfunc_end1:
_tile_overlayer_lowered:
.L_overlay_start_2:
0x78: {  	(tag) =	ssettag $0x2  }
0x79: {  	s0 =	rddreg [dreg:$0x0];
	s2 =	stileid.u32  }
0x7a: {  	s1 =	rddreg [dreg:$0x1];
	p0 =	sne.s32 s2, $0x0  }
0x7b: {  	s3 =	rddreg [dreg:$0x2];
	[bflag:$0x3] =	sbarrier.arrive $0xFFFF;
	s2 =	simm.s32 @!p0 $0x1C01  }
0x7c: {  	[timem:s3], [sflag:s2] =	dma.local @!p0 [hbm:s0], s1  }
0x7d: {  	s0 =	simm.s32 @!p0 $0x1  }
0x7e: {  	_ =	swait.ge @!p0 [sflag:s0], s1  }
0x7f: {  	s1 =	ssub.s32 @!p0 $0x0, s1;
	[sflag:s0] =	ssyncset.done @!p0 $0x0  }
0x80: {  	[sflag:s0] =	ssyncadd.s32 @!p0 s1  }
0x81: {  	[bflag:$0x3] =	sbarrier.arrive $0xFFFF  }
0x82: {  	_ =	shalt  }

</sc_bundles>
